<compile_context>
chip_gen: v7x
topology: tpu7x:2x2x1
jax: 0.10.2.dev20260603
libtpu: 0.0.44.dev20260713+nightly
codegen_flags: <defaults>
</compile_context>

<pallas_src>
import functools

import jax
import jax.numpy as jnp
from jax import lax
from jax.experimental import pallas as pl
from jax.experimental.pallas import tpu as pltpu
from jax.experimental.pallas import tpu_sc as plsc

N = 10000
NPAD = 10240
D = 128
H = 64
G = 64
OUT = 6
E = 320000
NW = 32
CHUNK = 80
CPT = 125
ROWS_PER_TILE = NPAD // 16
BLK = 1024
NB = NPAD // BLK


def _segment_sum_sc(u, src3, dst3, zrows):
    mesh = plsc.VectorSubcoreMesh(core_axis_name="c", subcore_axis_name="s")
    NBUF = 5

    @functools.partial(
        pl.kernel,
        out_type=jax.ShapeDtypeStruct((2, NPAD, H), jnp.float32),
        mesh=mesh,
        compiler_params=pltpu.CompilerParams(use_tc_tiling_on_sc=False),
        scratch_types=[
            pltpu.VMEM((CPT, CHUNK), jnp.int32),
            pltpu.VMEM((CPT, CHUNK), jnp.int32),
            pltpu.VMEM((CHUNK, H), jnp.float32),
            pltpu.VMEM((CHUNK, H), jnp.float32),
            pltpu.VMEM((CHUNK, H), jnp.float32),
            pltpu.VMEM((CHUNK, H), jnp.float32),
            pltpu.VMEM((CHUNK, H), jnp.float32),
            pltpu.VMEM_SHARED((NPAD, H), jnp.float32),
            pltpu.VMEM_SHARED((NPAD, H), jnp.float32),
            pltpu.SemaphoreType.DMA,
            pltpu.SemaphoreType.DMA,
            pltpu.SemaphoreType.DMA,
            pltpu.SemaphoreType.DMA,
            pltpu.SemaphoreType.DMA,
        ],
    )
    def body(u_hbm, src_hbm, dst_hbm, z_hbm, out_hbm,
             src_v, dst_v, r0, r1, r2, r3, r4, acc, u_s,
             g0, g1, g2, g3, g4):
        rows = (r0, r1, r2, r3, r4)
        gsem = (g0, g1, g2, g3, g4)
        cid = lax.axis_index("c")
        sid = lax.axis_index("s")
        wid = cid * 16 + sid
        pltpu.sync_copy(src_hbm.at[wid], src_v)
        pltpu.sync_copy(dst_hbm.at[wid], dst_v)
        pltpu.sync_copy(
            u_hbm.at[pl.ds(sid * ROWS_PER_TILE, ROWS_PER_TILE)],
            u_s.at[pl.ds(sid * ROWS_PER_TILE, ROWS_PER_TILE)])
        pltpu.sync_copy(z_hbm, acc.at[pl.ds(sid * ROWS_PER_TILE, ROWS_PER_TILE)])
        plsc.subcore_barrier()

        for b in range(NBUF):
            pltpu.async_copy(u_s.at[src_v.at[b]], rows[b], gsem[b])

        def step(i, carry):
            j = NBUF * i
            for b in range(NBUF):
                pltpu.make_async_copy(u_s.at[src_v.at[j + b]], rows[b],
                                      gsem[b]).wait()
                pltpu.sync_copy(rows[b], acc.at[dst_v.at[j + b]], add=True)

                @pl.when(j + NBUF + b < CPT)
                def _():
                    pltpu.async_copy(u_s.at[src_v.at[j + NBUF + b]], rows[b],
                                     gsem[b])
            return carry

        lax.fori_loop(0, CPT // NBUF, step, 0)
        plsc.subcore_barrier()
        pltpu.sync_copy(
            acc.at[pl.ds(sid * ROWS_PER_TILE, ROWS_PER_TILE)],
            out_hbm.at[cid].at[pl.ds(sid * ROWS_PER_TILE, ROWS_PER_TILE)])

    return body(u, src3, dst3, zrows)


def _k1(xp, W1a):
    def body(x_ref, w_ref, o_ref):
        o_ref[...] = jnp.dot(x_ref[...], w_ref[...],
                             preferred_element_type=jnp.float32)

    return pl.pallas_call(
        body,
        grid=(NB,),
        in_specs=[pl.BlockSpec((BLK, D), lambda i: (i, 0)),
                  pl.BlockSpec((D, H), lambda i: (0, 0))],
        out_specs=pl.BlockSpec((BLK, H), lambda i: (i, 0)),
        out_shape=jax.ShapeDtypeStruct((NPAD, H), jnp.float32),
    )(xp, W1a)


def _k2(p, u, b1, W2, b2, Wn):
    def body(p_ref, u_ref, b1_ref, w2_ref, b2_ref, wn_ref, o_ref):
        t = jnp.maximum(p_ref[0] + p_ref[1] + u_ref[...] + b1_ref[...], 0.0)
        h = jnp.maximum(
            jnp.dot(t, w2_ref[...], preferred_element_type=jnp.float32)
            + b2_ref[...], 0.0)
        o_ref[...] = jnp.dot(h, wn_ref[...], preferred_element_type=jnp.float32)

    return pl.pallas_call(
        body,
        grid=(NB,),
        in_specs=[pl.BlockSpec((2, BLK, H), lambda i: (0, i, 0)),
                  pl.BlockSpec((BLK, H), lambda i: (i, 0)),
                  pl.BlockSpec((1, H), lambda i: (0, 0)),
                  pl.BlockSpec((H, H), lambda i: (0, 0)),
                  pl.BlockSpec((1, H), lambda i: (0, 0)),
                  pl.BlockSpec((H, H), lambda i: (0, 0))],
        out_specs=pl.BlockSpec((BLK, H), lambda i: (i, 0)),
        out_shape=jax.ShapeDtypeStruct((NPAD, H), jnp.float32),
    )(p, u, b1, W2, b2, Wn)


def _k3(q, v, b1, W2, b2, batch3, Wf1, bf1, Wf2, bf2):
    def body(q_ref, v_ref, b1_ref, w2_ref, b2_ref, bt_ref, wf1_ref, bf1_ref,
             wf2_ref, bf2_ref, o_ref, sum_ref, cnt_ref):
        i = pl.program_id(0)
        t = jnp.maximum(q_ref[0] + q_ref[1] + v_ref[...] + b1_ref[...], 0.0)
        h2 = jnp.maximum(
            jnp.dot(t, w2_ref[...], preferred_element_type=jnp.float32)
            + b2_ref[...], 0.0)
        bv = bt_ref[0]
        oh = (lax.broadcasted_iota(jnp.int32, (G, BLK), 0)
              == jnp.broadcast_to(bv, (G, BLK))).astype(jnp.float32)
        s = lax.dot_general(oh, h2, (((1,), (0,)), ((), ())),
                            preferred_element_type=jnp.float32)
        c = lax.dot_general(oh, jnp.ones((BLK, H), jnp.float32),
                            (((1,), (0,)), ((), ())),
                            preferred_element_type=jnp.float32)

        @pl.when(i == 0)
        def _():
            sum_ref[...] = s
            cnt_ref[...] = c

        @pl.when(i > 0)
        def _():
            sum_ref[...] += s
            cnt_ref[...] += c

        @pl.when(i == NB - 1)
        def _():
            pooled = sum_ref[...] / jnp.maximum(cnt_ref[...], 1.0)
            o1 = jnp.maximum(
                jnp.dot(pooled, wf1_ref[...], preferred_element_type=jnp.float32)
                + bf1_ref[...], 0.0)
            logits = (jnp.dot(o1, wf2_ref[...], preferred_element_type=jnp.float32)
                      + bf2_ref[...])
            o_ref[...] = 1.0 / (1.0 + jnp.exp(-logits))

    return pl.pallas_call(
        body,
        grid=(NB,),
        in_specs=[pl.BlockSpec((2, BLK, H), lambda i: (0, i, 0)),
                  pl.BlockSpec((BLK, H), lambda i: (i, 0)),
                  pl.BlockSpec((1, H), lambda i: (0, 0)),
                  pl.BlockSpec((H, H), lambda i: (0, 0)),
                  pl.BlockSpec((1, H), lambda i: (0, 0)),
                  pl.BlockSpec((1, 1, BLK), lambda i: (i, 0, 0)),
                  pl.BlockSpec((H, H), lambda i: (0, 0)),
                  pl.BlockSpec((1, H), lambda i: (0, 0)),
                  pl.BlockSpec((H, OUT), lambda i: (0, 0)),
                  pl.BlockSpec((1, OUT), lambda i: (0, 0))],
        out_specs=pl.BlockSpec((G, OUT), lambda i: (0, 0)),
        out_shape=jax.ShapeDtypeStruct((G, OUT), jnp.float32),
        scratch_shapes=[pltpu.VMEM((G, H), jnp.float32),
                        pltpu.VMEM((G, H), jnp.float32)],
    )(q, v, b1, W2, b2, batch3, Wf1, bf1, Wf2, bf2)


def kernel(x, edge_index, batch, W1a, b1a, W2a, b2a, W1b, b1b, W2b, b2b,
           Wf1, bf1, Wf2, bf2):
    xp = jnp.pad(x, ((0, NPAD - N), (0, 0)))
    src3 = edge_index[0].reshape(NW, CPT, CHUNK)
    dst3 = edge_index[1].reshape(NW, CPT, CHUNK)
    batch3 = jnp.concatenate(
        [batch, jnp.full((NPAD - N,), G, jnp.int32)]).reshape(NB, 1, BLK)

    zrows = jnp.zeros((ROWS_PER_TILE, H), jnp.float32)
    u = _k1(xp, W1a)
    p = _segment_sum_sc(u, src3, dst3, zrows)
    v = _k2(p, u, b1a.reshape(1, H), W2a, b2a.reshape(1, H), W1b)
    q = _segment_sum_sc(v, src3, dst3, zrows)
    out = _k3(q, v, b1b.reshape(1, H), W2b, b2b.reshape(1, H), batch3,
              Wf1, bf1.reshape(1, H), Wf2, bf2.reshape(1, OUT))
    return out

# --- scband reference (transcript-rebuilt; emitter-appended) ---
"""Pipeline reference for scband-ginview-model-23536420782504 (READ-ONLY COPY).

The authoritative reference and input builder live on the scoring server;
editing this copy changes nothing except your own understanding.
"""

import jax, jax.numpy as jnp
import numpy as np

N = 10000
E = 320000
D = 128
H = 64
G = 64
OUT = 6

def setup_inputs(seed: int = 0) -> dict:
    key = jax.random.key(seed)
    ks = jax.random.split(key, 16)
    x = jax.random.normal(ks[0], (N, D), dtype=jnp.float32)
    edge_index = jax.random.randint(ks[1], (2, E), 0, N, dtype=jnp.int32)
    batch = jnp.sort(jax.random.randint(ks[2], (N,), 0, G, dtype=jnp.int32))
    s = 0.05
    W1a = jax.random.normal(ks[3], (D, H), dtype=jnp.float32) * s
    b1a = jnp.zeros((H,), dtype=jnp.float32)
    W2a = jax.random.normal(ks[4], (H, H), dtype=jnp.float32) * s
    b2a = jnp.zeros((H,), dtype=jnp.float32)
    W1b = jax.random.normal(ks[5], (H, H), dtype=jnp.float32) * s
    b1b = jnp.zeros((H,), dtype=jnp.float32)
    W2b = jax.random.normal(ks[6], (H, H), dtype=jnp.float32) * s
    b2b = jnp.zeros((H,), dtype=jnp.float32)
    Wf1 = jax.random.normal(ks[7], (H, H), dtype=jnp.float32) * s
    bf1 = jnp.zeros((H,), dtype=jnp.float32)
    Wf2 = jax.random.normal(ks[8], (H, OUT), dtype=jnp.float32) * s
    bf2 = jnp.zeros((OUT,), dtype=jnp.float32)
    return {"x": x, "edge_index": edge_index, "batch": batch,
            "W1a": W1a, "b1a": b1a, "W2a": W2a, "b2a": b2a,
            "W1b": W1b, "b1b": b1b, "W2b": W2b, "b2b": b2b,
            "Wf1": Wf1, "bf1": bf1, "Wf2": Wf2, "bf2": bf2}

def reference(x, edge_index, batch, W1a, b1a, W2a, b2a, W1b, b1b, W2b, b2b, Wf1, bf1, Wf2, bf2):
    src = edge_index[0]
    dst = edge_index[1]

    def gin_conv(h, Wi, bi, Wo, bo):
        # GINConv with eps=0: nn((1+eps)*x + sum_{j in N(i)} x_j)
        agg = jax.ops.segment_sum(h[src], dst, num_segments=N)
        z = agg + h
        z = jnp.maximum(jnp.dot(z, Wi) + bi, 0.0)
        return jnp.dot(z, Wo) + bo

    h = jnp.maximum(gin_conv(x, W1a, b1a, W2a, b2a), 0.0)
    h = jnp.maximum(gin_conv(h, W1b, b1b, W2b, b2b), 0.0)
    # global_mean_pool over batch segment ids
    sums = jax.ops.segment_sum(h, batch, num_segments=G)
    counts = jax.ops.segment_sum(jnp.ones((N, 1), dtype=jnp.float32), batch, num_segments=G)
    pooled = sums / jnp.clip(counts, 1.0)
    out = jnp.maximum(jnp.dot(pooled, Wf1) + bf1, 0.0)
    out = jnp.dot(out, Wf2) + bf2
    return jax.nn.sigmoid(out)

if __name__ == "__main__":
    import jax
    _d = setup_inputs()
    print(jax.jit(kernel)(*tuple(_d.values())))

</pallas_src>

<mosaic_0001>
#map = affine_map<(d0, d1) -> (0, 0)>
#map1 = affine_map<(d0, d1) -> (0, 0, 0)>
module attributes {stable_mosaic.version = 14 : i64} {
  func.func @body(%arg0: i32, %arg1: i32, %arg2: memref<10240x64xf32, #tpu.memory_space<hbm>>, %arg3: memref<32x125x80xi32, #tpu.memory_space<hbm>>, %arg4: memref<32x125x80xi32, #tpu.memory_space<hbm>>, %arg5: memref<640x64xf32, #tpu.memory_space<hbm>>, %arg6: memref<2x10240x64xf32, #tpu.memory_space<hbm>>, %arg7: memref<125x80xi32, #tpu.memory_space<vmem>>, %arg8: memref<125x80xi32, #tpu.memory_space<vmem>>, %arg9: memref<80x64xf32, #tpu.memory_space<vmem>>, %arg10: memref<80x64xf32, #tpu.memory_space<vmem>>, %arg11: memref<80x64xf32, #tpu.memory_space<vmem>>, %arg12: memref<80x64xf32, #tpu.memory_space<vmem>>, %arg13: memref<80x64xf32, #tpu.memory_space<vmem>>, %arg14: memref<10240x64xf32, #tpu.memory_space<vmem_shared>>, %arg15: memref<10240x64xf32, #tpu.memory_space<vmem_shared>>, %arg16: memref<!tpu.dma_semaphore, #tpu.memory_space<semaphore_mem>>, %arg17: memref<!tpu.dma_semaphore, #tpu.memory_space<semaphore_mem>>, %arg18: memref<!tpu.dma_semaphore, #tpu.memory_space<semaphore_mem>>, %arg19: memref<!tpu.dma_semaphore, #tpu.memory_space<semaphore_mem>>, %arg20: memref<!tpu.dma_semaphore, #tpu.memory_space<semaphore_mem>>) attributes {dimension_semantics = [#tpu.dimension_semantics<core_parallel>, #tpu.dimension_semantics<subcore_parallel>], iteration_bounds = array<i64: 2, 16>, scalar_prefetch = 0 : i64, scratch_operands = 14 : i64, tpu.core_type = #tpu.core_type<sc_vector_subcore>, window_params = [{transform_indices = #map}, {transform_indices = #map1}, {transform_indices = #map1}, {transform_indices = #map}, {transform_indices = #map1}]} {
    %mul3A = arith.constant 16 : i32
    %mul3A_0 = arith.muli %arg0, %mul3A : i32
    %add3A = arith.addi %mul3A_0, %arg1 : i32
    "tpu.region"() ({
      %run_scoped3A = tpu.sem_alloc : memref<!tpu.dma_semaphore, #tpu.memory_space<semaphore_mem>>
      %dma_start3A_51 = arith.constant 0 : i32
      %dma_start3A_52 = arith.constant 0 : i32
      %dma_start3A_53 = tpu.memref_slice %arg3[%add3A, %dma_start3A_51, %dma_start3A_52] : memref<32x125x80xi32, #tpu.memory_space<hbm>> -> memref<1x125x80xi32, #tpu.memory_space<hbm>>
      %dma_start3A_54 = tpu.memref_squeeze %dma_start3A_53 : memref<1x125x80xi32, #tpu.memory_space<hbm>> -> memref<125x80xi32, #tpu.memory_space<hbm>>
      %dma_start3A_55 = arith.constant 0 : i32
      %dma_start3A_56 = arith.constant 0 : i32
      %dma_start3A_57 = tpu.memref_slice %arg3[%add3A, %dma_start3A_55, %dma_start3A_56] : memref<32x125x80xi32, #tpu.memory_space<hbm>> -> memref<1x125x80xi32, #tpu.memory_space<hbm>>
      %dma_start3A_58 = tpu.memref_squeeze %dma_start3A_57 : memref<1x125x80xi32, #tpu.memory_space<hbm>> -> memref<125x80xi32, #tpu.memory_space<hbm>>
      tpu.enqueue_dma source(%dma_start3A_58 : memref<125x80xi32, #tpu.memory_space<hbm>>) target(%arg7 : memref<125x80xi32, #tpu.memory_space<vmem>>) target_semaphore(%run_scoped3A : memref<!tpu.dma_semaphore, #tpu.memory_space<semaphore_mem>>)
      %dma_wait3A = arith.constant 0 : i32
      %dma_wait3A_59 = arith.constant 0 : i32
      %dma_wait3A_60 = tpu.memref_slice %arg3[%add3A, %dma_wait3A, %dma_wait3A_59] : memref<32x125x80xi32, #tpu.memory_space<hbm>> -> memref<1x125x80xi32, #tpu.memory_space<hbm>>
      %dma_wait3A_61 = tpu.memref_squeeze %dma_wait3A_60 : memref<1x125x80xi32, #tpu.memory_space<hbm>> -> memref<125x80xi32, #tpu.memory_space<hbm>>
      %dma_wait3A_62 = arith.constant 0 : i32
      %dma_wait3A_63 = arith.constant 0 : i32
      %dma_wait3A_64 = tpu.memref_slice %arg3[%add3A, %dma_wait3A_62, %dma_wait3A_63] : memref<32x125x80xi32, #tpu.memory_space<hbm>> -> memref<1x125x80xi32, #tpu.memory_space<hbm>>
      %dma_wait3A_65 = tpu.memref_squeeze %dma_wait3A_64 : memref<1x125x80xi32, #tpu.memory_space<hbm>> -> memref<125x80xi32, #tpu.memory_space<hbm>>
      tpu.wait_dma2 semaphore(%run_scoped3A : memref<!tpu.dma_semaphore, #tpu.memory_space<semaphore_mem>>) src(%dma_wait3A_65 : memref<125x80xi32, #tpu.memory_space<hbm>>) dst(%arg7 : memref<125x80xi32, #tpu.memory_space<vmem>>)
      tpu.yield
    }) : () -> ()
    "tpu.region"() ({
      %run_scoped3A = tpu.sem_alloc : memref<!tpu.dma_semaphore, #tpu.memory_space<semaphore_mem>>
      %dma_start3A_51 = arith.constant 0 : i32
      %dma_start3A_52 = arith.constant 0 : i32
      %dma_start3A_53 = tpu.memref_slice %arg4[%add3A, %dma_start3A_51, %dma_start3A_52] : memref<32x125x80xi32, #tpu.memory_space<hbm>> -> memref<1x125x80xi32, #tpu.memory_space<hbm>>
      %dma_start3A_54 = tpu.memref_squeeze %dma_start3A_53 : memref<1x125x80xi32, #tpu.memory_space<hbm>> -> memref<125x80xi32, #tpu.memory_space<hbm>>
      %dma_start3A_55 = arith.constant 0 : i32
      %dma_start3A_56 = arith.constant 0 : i32
      %dma_start3A_57 = tpu.memref_slice %arg4[%add3A, %dma_start3A_55, %dma_start3A_56] : memref<32x125x80xi32, #tpu.memory_space<hbm>> -> memref<1x125x80xi32, #tpu.memory_space<hbm>>
      %dma_start3A_58 = tpu.memref_squeeze %dma_start3A_57 : memref<1x125x80xi32, #tpu.memory_space<hbm>> -> memref<125x80xi32, #tpu.memory_space<hbm>>
      tpu.enqueue_dma source(%dma_start3A_58 : memref<125x80xi32, #tpu.memory_space<hbm>>) target(%arg8 : memref<125x80xi32, #tpu.memory_space<vmem>>) target_semaphore(%run_scoped3A : memref<!tpu.dma_semaphore, #tpu.memory_space<semaphore_mem>>)
      %dma_wait3A = arith.constant 0 : i32
      %dma_wait3A_59 = arith.constant 0 : i32
      %dma_wait3A_60 = tpu.memref_slice %arg4[%add3A, %dma_wait3A, %dma_wait3A_59] : memref<32x125x80xi32, #tpu.memory_space<hbm>> -> memref<1x125x80xi32, #tpu.memory_space<hbm>>
      %dma_wait3A_61 = tpu.memref_squeeze %dma_wait3A_60 : memref<1x125x80xi32, #tpu.memory_space<hbm>> -> memref<125x80xi32, #tpu.memory_space<hbm>>
      %dma_wait3A_62 = arith.constant 0 : i32
      %dma_wait3A_63 = arith.constant 0 : i32
      %dma_wait3A_64 = tpu.memref_slice %arg4[%add3A, %dma_wait3A_62, %dma_wait3A_63] : memref<32x125x80xi32, #tpu.memory_space<hbm>> -> memref<1x125x80xi32, #tpu.memory_space<hbm>>
      %dma_wait3A_65 = tpu.memref_squeeze %dma_wait3A_64 : memref<1x125x80xi32, #tpu.memory_space<hbm>> -> memref<125x80xi32, #tpu.memory_space<hbm>>
      tpu.wait_dma2 semaphore(%run_scoped3A : memref<!tpu.dma_semaphore, #tpu.memory_space<semaphore_mem>>) src(%dma_wait3A_65 : memref<125x80xi32, #tpu.memory_space<hbm>>) dst(%arg8 : memref<125x80xi32, #tpu.memory_space<vmem>>)
      tpu.yield
    }) : () -> ()
    %mul3A_1 = arith.constant 640 : i32
    %mul3A_2 = arith.muli %arg1, %mul3A_1 : i32
    %mul3A_3 = arith.constant 640 : i32
    %mul3A_4 = arith.muli %arg1, %mul3A_3 : i32
    "tpu.region"() ({
      %run_scoped3A = tpu.sem_alloc : memref<!tpu.dma_semaphore, #tpu.memory_space<semaphore_mem>>
      %dma_start3A_51 = arith.constant 0 : i32
      %dma_start3A_52 = tpu.memref_slice %arg15[%mul3A_4, %dma_start3A_51] : memref<10240x64xf32, #tpu.memory_space<vmem_shared>> -> memref<640x64xf32, #tpu.memory_space<vmem_shared>>
      %dma_start3A_53 = arith.constant 0 : i32
      %dma_start3A_54 = tpu.memref_slice %arg2[%mul3A_2, %dma_start3A_53] : memref<10240x64xf32, #tpu.memory_space<hbm>> -> memref<640x64xf32, #tpu.memory_space<hbm>>
      tpu.enqueue_dma source(%dma_start3A_54 : memref<640x64xf32, #tpu.memory_space<hbm>>) target(%dma_start3A_52 : memref<640x64xf32, #tpu.memory_space<vmem_shared>>) target_semaphore(%run_scoped3A : memref<!tpu.dma_semaphore, #tpu.memory_space<semaphore_mem>>)
      %dma_wait3A = arith.constant 0 : i32
      %dma_wait3A_55 = tpu.memref_slice %arg15[%mul3A_4, %dma_wait3A] : memref<10240x64xf32, #tpu.memory_space<vmem_shared>> -> memref<640x64xf32, #tpu.memory_space<vmem_shared>>
      %dma_wait3A_56 = arith.constant 0 : i32
      %dma_wait3A_57 = tpu.memref_slice %arg2[%mul3A_2, %dma_wait3A_56] : memref<10240x64xf32, #tpu.memory_space<hbm>> -> memref<640x64xf32, #tpu.memory_space<hbm>>
      tpu.wait_dma2 semaphore(%run_scoped3A : memref<!tpu.dma_semaphore, #tpu.memory_space<semaphore_mem>>) src(%dma_wait3A_57 : memref<640x64xf32, #tpu.memory_space<hbm>>) dst(%dma_wait3A_55 : memref<640x64xf32, #tpu.memory_space<vmem_shared>>)
      tpu.yield
    }) : () -> ()
    %mul3A_5 = arith.constant 640 : i32
    %mul3A_6 = arith.muli %arg1, %mul3A_5 : i32
    "tpu.region"() ({
      %run_scoped3A = tpu.sem_alloc : memref<!tpu.dma_semaphore, #tpu.memory_space<semaphore_mem>>
      %dma_start3A_51 = arith.constant 0 : i32
      %dma_start3A_52 = tpu.memref_slice %arg14[%mul3A_6, %dma_start3A_51] : memref<10240x64xf32, #tpu.memory_space<vmem_shared>> -> memref<640x64xf32, #tpu.memory_space<vmem_shared>>
      tpu.enqueue_dma source(%arg5 : memref<640x64xf32, #tpu.memory_space<hbm>>) target(%dma_start3A_52 : memref<640x64xf32, #tpu.memory_space<vmem_shared>>) target_semaphore(%run_scoped3A : memref<!tpu.dma_semaphore, #tpu.memory_space<semaphore_mem>>)
      %dma_wait3A = arith.constant 0 : i32
      %dma_wait3A_53 = tpu.memref_slice %arg14[%mul3A_6, %dma_wait3A] : memref<10240x64xf32, #tpu.memory_space<vmem_shared>> -> memref<640x64xf32, #tpu.memory_space<vmem_shared>>
      tpu.wait_dma2 semaphore(%run_scoped3A : memref<!tpu.dma_semaphore, #tpu.memory_space<semaphore_mem>>) src(%arg5 : memref<640x64xf32, #tpu.memory_space<hbm>>) dst(%dma_wait3A_53 : memref<640x64xf32, #tpu.memory_space<vmem_shared>>)
      tpu.yield
    }) : () -> ()
    %barrier3A = arith.constant 0 : index
    tpu.barrier barrier_id(%barrier3A)
    %dma_start3A = arith.constant 0 : i32
    %dma_start3A_7 = arith.constant 0 : i32
    %dma_start3A_8 = tpu.memref_slice %arg7[%dma_start3A, %dma_start3A_7] : memref<125x80xi32, #tpu.memory_space<vmem>> -> memref<1x80xi32, #tpu.memory_space<vmem>>
    %dma_start3A_9 = tpu.memref_squeeze %dma_start3A_8 : memref<1x80xi32, #tpu.memory_space<vmem>> -> memref<80xi32, #tpu.memory_space<vmem>>
    %dma_start3A_10 = arith.constant 0 : i32
    %dma_start3A_11 = arith.constant 0 : i32
    %dma_start3A_12 = tpu.memref_slice %arg15[%dma_start3A_10, %dma_start3A_11] : memref<10240x64xf32, #tpu.memory_space<vmem_shared>> -> memref<10240x64xf32, #tpu.memory_space<vmem_shared>>
    tpu.enqueue_indirect_dma source(%dma_start3A_12 : memref<10240x64xf32, #tpu.memory_space<vmem_shared>>) target(%arg9 : memref<80x64xf32, #tpu.memory_space<vmem>>) offsets(%dma_start3A_9 : memref<80xi32, #tpu.memory_space<vmem>>) semaphore(%arg16 : memref<!tpu.dma_semaphore, #tpu.memory_space<semaphore_mem>>)
    %dma_start3A_13 = arith.constant 1 : i32
    %dma_start3A_14 = arith.constant 0 : i32
    %dma_start3A_15 = tpu.memref_slice %arg7[%dma_start3A_13, %dma_start3A_14] : memref<125x80xi32, #tpu.memory_space<vmem>> -> memref<1x80xi32, #tpu.memory_space<vmem>>
    %dma_start3A_16 = tpu.memref_squeeze %dma_start3A_15 : memref<1x80xi32, #tpu.memory_space<vmem>> -> memref<80xi32, #tpu.memory_space<vmem>>
    %dma_start3A_17 = arith.constant 0 : i32
    %dma_start3A_18 = arith.constant 0 : i32
    %dma_start3A_19 = tpu.memref_slice %arg15[%dma_start3A_17, %dma_start3A_18] : memref<10240x64xf32, #tpu.memory_space<vmem_shared>> -> memref<10240x64xf32, #tpu.memory_space<vmem_shared>>
    tpu.enqueue_indirect_dma source(%dma_start3A_19 : memref<10240x64xf32, #tpu.memory_space<vmem_shared>>) target(%arg10 : memref<80x64xf32, #tpu.memory_space<vmem>>) offsets(%dma_start3A_16 : memref<80xi32, #tpu.memory_space<vmem>>) semaphore(%arg17 : memref<!tpu.dma_semaphore, #tpu.memory_space<semaphore_mem>>)
    %dma_start3A_20 = arith.constant 2 : i32
    %dma_start3A_21 = arith.constant 0 : i32
    %dma_start3A_22 = tpu.memref_slice %arg7[%dma_start3A_20, %dma_start3A_21] : memref<125x80xi32, #tpu.memory_space<vmem>> -> memref<1x80xi32, #tpu.memory_space<vmem>>
    %dma_start3A_23 = tpu.memref_squeeze %dma_start3A_22 : memref<1x80xi32, #tpu.memory_space<vmem>> -> memref<80xi32, #tpu.memory_space<vmem>>
    %dma_start3A_24 = arith.constant 0 : i32
    %dma_start3A_25 = arith.constant 0 : i32
    %dma_start3A_26 = tpu.memref_slice %arg15[%dma_start3A_24, %dma_start3A_25] : memref<10240x64xf32, #tpu.memory_space<vmem_shared>> -> memref<10240x64xf32, #tpu.memory_space<vmem_shared>>
    tpu.enqueue_indirect_dma source(%dma_start3A_26 : memref<10240x64xf32, #tpu.memory_space<vmem_shared>>) target(%arg11 : memref<80x64xf32, #tpu.memory_space<vmem>>) offsets(%dma_start3A_23 : memref<80xi32, #tpu.memory_space<vmem>>) semaphore(%arg18 : memref<!tpu.dma_semaphore, #tpu.memory_space<semaphore_mem>>)
    %dma_start3A_27 = arith.constant 3 : i32
    %dma_start3A_28 = arith.constant 0 : i32
    %dma_start3A_29 = tpu.memref_slice %arg7[%dma_start3A_27, %dma_start3A_28] : memref<125x80xi32, #tpu.memory_space<vmem>> -> memref<1x80xi32, #tpu.memory_space<vmem>>
    %dma_start3A_30 = tpu.memref_squeeze %dma_start3A_29 : memref<1x80xi32, #tpu.memory_space<vmem>> -> memref<80xi32, #tpu.memory_space<vmem>>
    %dma_start3A_31 = arith.constant 0 : i32
    %dma_start3A_32 = arith.constant 0 : i32
    %dma_start3A_33 = tpu.memref_slice %arg15[%dma_start3A_31, %dma_start3A_32] : memref<10240x64xf32, #tpu.memory_space<vmem_shared>> -> memref<10240x64xf32, #tpu.memory_space<vmem_shared>>
    tpu.enqueue_indirect_dma source(%dma_start3A_33 : memref<10240x64xf32, #tpu.memory_space<vmem_shared>>) target(%arg12 : memref<80x64xf32, #tpu.memory_space<vmem>>) offsets(%dma_start3A_30 : memref<80xi32, #tpu.memory_space<vmem>>) semaphore(%arg19 : memref<!tpu.dma_semaphore, #tpu.memory_space<semaphore_mem>>)
    %dma_start3A_34 = arith.constant 4 : i32
    %dma_start3A_35 = arith.constant 0 : i32
    %dma_start3A_36 = tpu.memref_slice %arg7[%dma_start3A_34, %dma_start3A_35] : memref<125x80xi32, #tpu.memory_space<vmem>> -> memref<1x80xi32, #tpu.memory_space<vmem>>
    %dma_start3A_37 = tpu.memref_squeeze %dma_start3A_36 : memref<1x80xi32, #tpu.memory_space<vmem>> -> memref<80xi32, #tpu.memory_space<vmem>>
    %dma_start3A_38 = arith.constant 0 : i32
    %dma_start3A_39 = arith.constant 0 : i32
    %dma_start3A_40 = tpu.memref_slice %arg15[%dma_start3A_38, %dma_start3A_39] : memref<10240x64xf32, #tpu.memory_space<vmem_shared>> -> memref<10240x64xf32, #tpu.memory_space<vmem_shared>>
    tpu.enqueue_indirect_dma source(%dma_start3A_40 : memref<10240x64xf32, #tpu.memory_space<vmem_shared>>) target(%arg13 : memref<80x64xf32, #tpu.memory_space<vmem>>) offsets(%dma_start3A_37 : memref<80xi32, #tpu.memory_space<vmem>>) semaphore(%arg20 : memref<!tpu.dma_semaphore, #tpu.memory_space<semaphore_mem>>)
    %scan3A = arith.constant 0 : i32
    %scan3A_41 = arith.constant 0 : i32
    %scan3A_42 = arith.constant 25 : i32
    %scan3A_43 = arith.addi %scan3A_41, %scan3A_42 : i32
    %scan3A_44 = arith.constant 1 : i32
    scf.for %scan3A_51 = %scan3A_41 to %scan3A_43 step %scan3A_44  : i32 {
      %mul3A_52 = arith.constant 5 : i32
      %mul3A_53 = arith.muli %mul3A_52, %scan3A_51 : i32
      %add3A_54 = arith.constant 0 : i32
      %add3A_55 = arith.addi %mul3A_53, %add3A_54 : i32
      %dma_wait3A = arith.constant 0 : i32
      %dma_wait3A_56 = tpu.memref_slice %arg7[%add3A_55, %dma_wait3A] : memref<125x80xi32, #tpu.memory_space<vmem>> -> memref<1x80xi32, #tpu.memory_space<vmem>>
      %dma_wait3A_57 = tpu.memref_squeeze %dma_wait3A_56 : memref<1x80xi32, #tpu.memory_space<vmem>> -> memref<80xi32, #tpu.memory_space<vmem>>
      %dma_wait3A_58 = arith.constant 0 : i32
      %dma_wait3A_59 = arith.constant 0 : i32
      %dma_wait3A_60 = tpu.memref_slice %arg15[%dma_wait3A_58, %dma_wait3A_59] : memref<10240x64xf32, #tpu.memory_space<vmem_shared>> -> memref<10240x64xf32, #tpu.memory_space<vmem_shared>>
      tpu.wait_indirect_dma semaphore(%arg16 : memref<!tpu.dma_semaphore, #tpu.memory_space<semaphore_mem>>) src(%dma_wait3A_60 : memref<10240x64xf32, #tpu.memory_space<vmem_shared>>) dst(%arg9 : memref<80x64xf32, #tpu.memory_space<vmem>>)
      %add3A_61 = arith.constant 0 : i32
      %add3A_62 = arith.addi %mul3A_53, %add3A_61 : i32
      "tpu.region"() ({
        %run_scoped3A = tpu.sem_alloc : memref<!tpu.dma_semaphore, #tpu.memory_space<semaphore_mem>>
        %dma_start3A_145 = arith.constant 0 : i32
        %dma_start3A_146 = tpu.memref_slice %arg8[%add3A_62, %dma_start3A_145] : memref<125x80xi32, #tpu.memory_space<vmem>> -> memref<1x80xi32, #tpu.memory_space<vmem>>
        %dma_start3A_147 = tpu.memref_squeeze %dma_start3A_146 : memref<1x80xi32, #tpu.memory_space<vmem>> -> memref<80xi32, #tpu.memory_space<vmem>>
        %dma_start3A_148 = arith.constant 0 : i32
        %dma_start3A_149 = arith.constant 0 : i32
        %dma_start3A_150 = tpu.memref_slice %arg14[%dma_start3A_148, %dma_start3A_149] : memref<10240x64xf32, #tpu.memory_space<vmem_shared>> -> memref<10240x64xf32, #tpu.memory_space<vmem_shared>>
        tpu.enqueue_indirect_dma source(%arg9 : memref<80x64xf32, #tpu.memory_space<vmem>>) target(%dma_start3A_150 : memref<10240x64xf32, #tpu.memory_space<vmem_shared>>) offsets(%dma_start3A_147 : memref<80xi32, #tpu.memory_space<vmem>>) semaphore(%run_scoped3A : memref<!tpu.dma_semaphore, #tpu.memory_space<semaphore_mem>>) {add = true}
        %dma_wait3A_151 = arith.constant 0 : i32
        %dma_wait3A_152 = tpu.memref_slice %arg8[%add3A_62, %dma_wait3A_151] : memref<125x80xi32, #tpu.memory_space<vmem>> -> memref<1x80xi32, #tpu.memory_space<vmem>>
        %dma_wait3A_153 = tpu.memref_squeeze %dma_wait3A_152 : memref<1x80xi32, #tpu.memory_space<vmem>> -> memref<80xi32, #tpu.memory_space<vmem>>
        %dma_wait3A_154 = arith.constant 0 : i32
        %dma_wait3A_155 = arith.constant 0 : i32
        %dma_wait3A_156 = tpu.memref_slice %arg14[%dma_wait3A_154, %dma_wait3A_155] : memref<10240x64xf32, #tpu.memory_space<vmem_shared>> -> memref<10240x64xf32, #tpu.memory_space<vmem_shared>>
        tpu.wait_indirect_dma semaphore(%run_scoped3A : memref<!tpu.dma_semaphore, #tpu.memory_space<semaphore_mem>>) src(%arg9 : memref<80x64xf32, #tpu.memory_space<vmem>>) dst(%dma_wait3A_156 : memref<10240x64xf32, #tpu.memory_space<vmem_shared>>)
        tpu.yield
      }) : () -> ()
      %add3A_63 = arith.constant 5 : i32
      %add3A_64 = arith.addi %mul3A_53, %add3A_63 : i32
      %add3A_65 = arith.constant 0 : i32
      %add3A_66 = arith.addi %add3A_64, %add3A_65 : i32
      %lt3A = arith.constant 125 : i32
      %lt3A_67 = arith.cmpi slt, %add3A_66, %lt3A : i32
      %convert_element_type3A = arith.extui %lt3A_67 : i1 to i32
      %cond3A = arith.constant 0 : i32
      %cond3A_68 = arith.cmpi ne, %convert_element_type3A, %cond3A : i32
      scf.if %cond3A_68 {
        %add3A_145 = arith.constant 5 : i32
        %add3A_146 = arith.addi %mul3A_53, %add3A_145 : i32
        %add3A_147 = arith.constant 0 : i32
        %add3A_148 = arith.addi %add3A_146, %add3A_147 : i32
        %dma_start3A_149 = arith.constant 0 : i32
        %dma_start3A_150 = tpu.memref_slice %arg7[%add3A_148, %dma_start3A_149] : memref<125x80xi32, #tpu.memory_space<vmem>> -> memref<1x80xi32, #tpu.memory_space<vmem>>
        %dma_start3A_151 = tpu.memref_squeeze %dma_start3A_150 : memref<1x80xi32, #tpu.memory_space<vmem>> -> memref<80xi32, #tpu.memory_space<vmem>>
        %dma_start3A_152 = arith.constant 0 : i32
        %dma_start3A_153 = arith.constant 0 : i32
        %dma_start3A_154 = tpu.memref_slice %arg15[%dma_start3A_152, %dma_start3A_153] : memref<10240x64xf32, #tpu.memory_space<vmem_shared>> -> memref<10240x64xf32, #tpu.memory_space<vmem_shared>>
        tpu.enqueue_indirect_dma source(%dma_start3A_154 : memref<10240x64xf32, #tpu.memory_space<vmem_shared>>) target(%arg9 : memref<80x64xf32, #tpu.memory_space<vmem>>) offsets(%dma_start3A_151 : memref<80xi32, #tpu.memory_space<vmem>>) semaphore(%arg16 : memref<!tpu.dma_semaphore, #tpu.memory_space<semaphore_mem>>)
      } else {
      }
      %add3A_69 = arith.constant 1 : i32
      %add3A_70 = arith.addi %mul3A_53, %add3A_69 : i32
      %dma_wait3A_71 = arith.constant 0 : i32
      %dma_wait3A_72 = tpu.memref_slice %arg7[%add3A_70, %dma_wait3A_71] : memref<125x80xi32, #tpu.memory_space<vmem>> -> memref<1x80xi32, #tpu.memory_space<vmem>>
      %dma_wait3A_73 = tpu.memref_squeeze %dma_wait3A_72 : memref<1x80xi32, #tpu.memory_space<vmem>> -> memref<80xi32, #tpu.memory_space<vmem>>
      %dma_wait3A_74 = arith.constant 0 : i32
      %dma_wait3A_75 = arith.constant 0 : i32
      %dma_wait3A_76 = tpu.memref_slice %arg15[%dma_wait3A_74, %dma_wait3A_75] : memref<10240x64xf32, #tpu.memory_space<vmem_shared>> -> memref<10240x64xf32, #tpu.memory_space<vmem_shared>>
      tpu.wait_indirect_dma semaphore(%arg17 : memref<!tpu.dma_semaphore, #tpu.memory_space<semaphore_mem>>) src(%dma_wait3A_76 : memref<10240x64xf32, #tpu.memory_space<vmem_shared>>) dst(%arg10 : memref<80x64xf32, #tpu.memory_space<vmem>>)
      %add3A_77 = arith.constant 1 : i32
      %add3A_78 = arith.addi %mul3A_53, %add3A_77 : i32
      "tpu.region"() ({
        %run_scoped3A = tpu.sem_alloc : memref<!tpu.dma_semaphore, #tpu.memory_space<semaphore_mem>>
        %dma_start3A_145 = arith.constant 0 : i32
        %dma_start3A_146 = tpu.memref_slice %arg8[%add3A_78, %dma_start3A_145] : memref<125x80xi32, #tpu.memory_space<vmem>> -> memref<1x80xi32, #tpu.memory_space<vmem>>
        %dma_start3A_147 = tpu.memref_squeeze %dma_start3A_146 : memref<1x80xi32, #tpu.memory_space<vmem>> -> memref<80xi32, #tpu.memory_space<vmem>>
        %dma_start3A_148 = arith.constant 0 : i32
        %dma_start3A_149 = arith.constant 0 : i32
        %dma_start3A_150 = tpu.memref_slice %arg14[%dma_start3A_148, %dma_start3A_149] : memref<10240x64xf32, #tpu.memory_space<vmem_shared>> -> memref<10240x64xf32, #tpu.memory_space<vmem_shared>>
        tpu.enqueue_indirect_dma source(%arg10 : memref<80x64xf32, #tpu.memory_space<vmem>>) target(%dma_start3A_150 : memref<10240x64xf32, #tpu.memory_space<vmem_shared>>) offsets(%dma_start3A_147 : memref<80xi32, #tpu.memory_space<vmem>>) semaphore(%run_scoped3A : memref<!tpu.dma_semaphore, #tpu.memory_space<semaphore_mem>>) {add = true}
        %dma_wait3A_151 = arith.constant 0 : i32
        %dma_wait3A_152 = tpu.memref_slice %arg8[%add3A_78, %dma_wait3A_151] : memref<125x80xi32, #tpu.memory_space<vmem>> -> memref<1x80xi32, #tpu.memory_space<vmem>>
        %dma_wait3A_153 = tpu.memref_squeeze %dma_wait3A_152 : memref<1x80xi32, #tpu.memory_space<vmem>> -> memref<80xi32, #tpu.memory_space<vmem>>
        %dma_wait3A_154 = arith.constant 0 : i32
        %dma_wait3A_155 = arith.constant 0 : i32
        %dma_wait3A_156 = tpu.memref_slice %arg14[%dma_wait3A_154, %dma_wait3A_155] : memref<10240x64xf32, #tpu.memory_space<vmem_shared>> -> memref<10240x64xf32, #tpu.memory_space<vmem_shared>>
        tpu.wait_indirect_dma semaphore(%run_scoped3A : memref<!tpu.dma_semaphore, #tpu.memory_space<semaphore_mem>>) src(%arg10 : memref<80x64xf32, #tpu.memory_space<vmem>>) dst(%dma_wait3A_156 : memref<10240x64xf32, #tpu.memory_space<vmem_shared>>)
        tpu.yield
      }) : () -> ()
      %add3A_79 = arith.constant 5 : i32
      %add3A_80 = arith.addi %mul3A_53, %add3A_79 : i32
      %add3A_81 = arith.constant 1 : i32
      %add3A_82 = arith.addi %add3A_80, %add3A_81 : i32
      %lt3A_83 = arith.constant 125 : i32
      %lt3A_84 = arith.cmpi slt, %add3A_82, %lt3A_83 : i32
      %convert_element_type3A_85 = arith.extui %lt3A_84 : i1 to i32
      %cond3A_86 = arith.constant 0 : i32
      %cond3A_87 = arith.cmpi ne, %convert_element_type3A_85, %cond3A_86 : i32
      scf.if %cond3A_87 {
        %add3A_145 = arith.constant 5 : i32
        %add3A_146 = arith.addi %mul3A_53, %add3A_145 : i32
        %add3A_147 = arith.constant 1 : i32
        %add3A_148 = arith.addi %add3A_146, %add3A_147 : i32
        %dma_start3A_149 = arith.constant 0 : i32
        %dma_start3A_150 = tpu.memref_slice %arg7[%add3A_148, %dma_start3A_149] : memref<125x80xi32, #tpu.memory_space<vmem>> -> memref<1x80xi32, #tpu.memory_space<vmem>>
        %dma_start3A_151 = tpu.memref_squeeze %dma_start3A_150 : memref<1x80xi32, #tpu.memory_space<vmem>> -> memref<80xi32, #tpu.memory_space<vmem>>
        %dma_start3A_152 = arith.constant 0 : i32
        %dma_start3A_153 = arith.constant 0 : i32
        %dma_start3A_154 = tpu.memref_slice %arg15[%dma_start3A_152, %dma_start3A_153] : memref<10240x64xf32, #tpu.memory_space<vmem_shared>> -> memref<10240x64xf32, #tpu.memory_space<vmem_shared>>
        tpu.enqueue_indirect_dma source(%dma_start3A_154 : memref<10240x64xf32, #tpu.memory_space<vmem_shared>>) target(%arg10 : memref<80x64xf32, #tpu.memory_space<vmem>>) offsets(%dma_start3A_151 : memref<80xi32, #tpu.memory_space<vmem>>) semaphore(%arg17 : memref<!tpu.dma_semaphore, #tpu.memory_space<semaphore_mem>>)
      } else {
      }
      %add3A_88 = arith.constant 2 : i32
      %add3A_89 = arith.addi %mul3A_53, %add3A_88 : i32
      %dma_wait3A_90 = arith.constant 0 : i32
      %dma_wait3A_91 = tpu.memref_slice %arg7[%add3A_89, %dma_wait3A_90] : memref<125x80xi32, #tpu.memory_space<vmem>> -> memref<1x80xi32, #tpu.memory_space<vmem>>
      %dma_wait3A_92 = tpu.memref_squeeze %dma_wait3A_91 : memref<1x80xi32, #tpu.memory_space<vmem>> -> memref<80xi32, #tpu.memory_space<vmem>>
      %dma_wait3A_93 = arith.constant 0 : i32
      %dma_wait3A_94 = arith.constant 0 : i32
      %dma_wait3A_95 = tpu.memref_slice %arg15[%dma_wait3A_93, %dma_wait3A_94] : memref<10240x64xf32, #tpu.memory_space<vmem_shared>> -> memref<10240x64xf32, #tpu.memory_space<vmem_shared>>
      tpu.wait_indirect_dma semaphore(%arg18 : memref<!tpu.dma_semaphore, #tpu.memory_space<semaphore_mem>>) src(%dma_wait3A_95 : memref<10240x64xf32, #tpu.memory_space<vmem_shared>>) dst(%arg11 : memref<80x64xf32, #tpu.memory_space<vmem>>)
      %add3A_96 = arith.constant 2 : i32
      %add3A_97 = arith.addi %mul3A_53, %add3A_96 : i32
      "tpu.region"() ({
        %run_scoped3A = tpu.sem_alloc : memref<!tpu.dma_semaphore, #tpu.memory_space<semaphore_mem>>
        %dma_start3A_145 = arith.constant 0 : i32
        %dma_start3A_146 = tpu.memref_slice %arg8[%add3A_97, %dma_start3A_145] : memref<125x80xi32, #tpu.memory_space<vmem>> -> memref<1x80xi32, #tpu.memory_space<vmem>>
        %dma_start3A_147 = tpu.memref_squeeze %dma_start3A_146 : memref<1x80xi32, #tpu.memory_space<vmem>> -> memref<80xi32, #tpu.memory_space<vmem>>
        %dma_start3A_148 = arith.constant 0 : i32
        %dma_start3A_149 = arith.constant 0 : i32
        %dma_start3A_150 = tpu.memref_slice %arg14[%dma_start3A_148, %dma_start3A_149] : memref<10240x64xf32, #tpu.memory_space<vmem_shared>> -> memref<10240x64xf32, #tpu.memory_space<vmem_shared>>
        tpu.enqueue_indirect_dma source(%arg11 : memref<80x64xf32, #tpu.memory_space<vmem>>) target(%dma_start3A_150 : memref<10240x64xf32, #tpu.memory_space<vmem_shared>>) offsets(%dma_start3A_147 : memref<80xi32, #tpu.memory_space<vmem>>) semaphore(%run_scoped3A : memref<!tpu.dma_semaphore, #tpu.memory_space<semaphore_mem>>) {add = true}
        %dma_wait3A_151 = arith.constant 0 : i32
        %dma_wait3A_152 = tpu.memref_slice %arg8[%add3A_97, %dma_wait3A_151] : memref<125x80xi32, #tpu.memory_space<vmem>> -> memref<1x80xi32, #tpu.memory_space<vmem>>
        %dma_wait3A_153 = tpu.memref_squeeze %dma_wait3A_152 : memref<1x80xi32, #tpu.memory_space<vmem>> -> memref<80xi32, #tpu.memory_space<vmem>>
        %dma_wait3A_154 = arith.constant 0 : i32
        %dma_wait3A_155 = arith.constant 0 : i32
        %dma_wait3A_156 = tpu.memref_slice %arg14[%dma_wait3A_154, %dma_wait3A_155] : memref<10240x64xf32, #tpu.memory_space<vmem_shared>> -> memref<10240x64xf32, #tpu.memory_space<vmem_shared>>
        tpu.wait_indirect_dma semaphore(%run_scoped3A : memref<!tpu.dma_semaphore, #tpu.memory_space<semaphore_mem>>) src(%arg11 : memref<80x64xf32, #tpu.memory_space<vmem>>) dst(%dma_wait3A_156 : memref<10240x64xf32, #tpu.memory_space<vmem_shared>>)
        tpu.yield
      }) : () -> ()
      %add3A_98 = arith.constant 5 : i32
      %add3A_99 = arith.addi %mul3A_53, %add3A_98 : i32
      %add3A_100 = arith.constant 2 : i32
      %add3A_101 = arith.addi %add3A_99, %add3A_100 : i32
      %lt3A_102 = arith.constant 125 : i32
      %lt3A_103 = arith.cmpi slt, %add3A_101, %lt3A_102 : i32
      %convert_element_type3A_104 = arith.extui %lt3A_103 : i1 to i32
      %cond3A_105 = arith.constant 0 : i32
      %cond3A_106 = arith.cmpi ne, %convert_element_type3A_104, %cond3A_105 : i32
      scf.if %cond3A_106 {
        %add3A_145 = arith.constant 5 : i32
        %add3A_146 = arith.addi %mul3A_53, %add3A_145 : i32
        %add3A_147 = arith.constant 2 : i32
        %add3A_148 = arith.addi %add3A_146, %add3A_147 : i32
        %dma_start3A_149 = arith.constant 0 : i32
        %dma_start3A_150 = tpu.memref_slice %arg7[%add3A_148, %dma_start3A_149] : memref<125x80xi32, #tpu.memory_space<vmem>> -> memref<1x80xi32, #tpu.memory_space<vmem>>
        %dma_start3A_151 = tpu.memref_squeeze %dma_start3A_150 : memref<1x80xi32, #tpu.memory_space<vmem>> -> memref<80xi32, #tpu.memory_space<vmem>>
        %dma_start3A_152 = arith.constant 0 : i32
        %dma_start3A_153 = arith.constant 0 : i32
        %dma_start3A_154 = tpu.memref_slice %arg15[%dma_start3A_152, %dma_start3A_153] : memref<10240x64xf32, #tpu.memory_space<vmem_shared>> -> memref<10240x64xf32, #tpu.memory_space<vmem_shared>>
        tpu.enqueue_indirect_dma source(%dma_start3A_154 : memref<10240x64xf32, #tpu.memory_space<vmem_shared>>) target(%arg11 : memref<80x64xf32, #tpu.memory_space<vmem>>) offsets(%dma_start3A_151 : memref<80xi32, #tpu.memory_space<vmem>>) semaphore(%arg18 : memref<!tpu.dma_semaphore, #tpu.memory_space<semaphore_mem>>)
      } else {
      }
      %add3A_107 = arith.constant 3 : i32
      %add3A_108 = arith.addi %mul3A_53, %add3A_107 : i32
      %dma_wait3A_109 = arith.constant 0 : i32
      %dma_wait3A_110 = tpu.memref_slice %arg7[%add3A_108, %dma_wait3A_109] : memref<125x80xi32, #tpu.memory_space<vmem>> -> memref<1x80xi32, #tpu.memory_space<vmem>>
      %dma_wait3A_111 = tpu.memref_squeeze %dma_wait3A_110 : memref<1x80xi32, #tpu.memory_space<vmem>> -> memref<80xi32, #tpu.memory_space<vmem>>
      %dma_wait3A_112 = arith.constant 0 : i32
      %dma_wait3A_113 = arith.constant 0 : i32
      %dma_wait3A_114 = tpu.memref_slice %arg15[%dma_wait3A_112, %dma_wait3A_113] : memref<10240x64xf32, #tpu.memory_space<vmem_shared>> -> memref<10240x64xf32, #tpu.memory_space<vmem_shared>>
      tpu.wait_indirect_dma semaphore(%arg19 : memref<!tpu.dma_semaphore, #tpu.memory_space<semaphore_mem>>) src(%dma_wait3A_114 : memref<10240x64xf32, #tpu.memory_space<vmem_shared>>) dst(%arg12 : memref<80x64xf32, #tpu.memory_space<vmem>>)
      %add3A_115 = arith.constant 3 : i32
      %add3A_116 = arith.addi %mul3A_53, %add3A_115 : i32
      "tpu.region"() ({
        %run_scoped3A = tpu.sem_alloc : memref<!tpu.dma_semaphore, #tpu.memory_space<semaphore_mem>>
        %dma_start3A_145 = arith.constant 0 : i32
        %dma_start3A_146 = tpu.memref_slice %arg8[%add3A_116, %dma_start3A_145] : memref<125x80xi32, #tpu.memory_space<vmem>> -> memref<1x80xi32, #tpu.memory_space<vmem>>
        %dma_start3A_147 = tpu.memref_squeeze %dma_start3A_146 : memref<1x80xi32, #tpu.memory_space<vmem>> -> memref<80xi32, #tpu.memory_space<vmem>>
        %dma_start3A_148 = arith.constant 0 : i32
        %dma_start3A_149 = arith.constant 0 : i32
        %dma_start3A_150 = tpu.memref_slice %arg14[%dma_start3A_148, %dma_start3A_149] : memref<10240x64xf32, #tpu.memory_space<vmem_shared>> -> memref<10240x64xf32, #tpu.memory_space<vmem_shared>>
        tpu.enqueue_indirect_dma source(%arg12 : memref<80x64xf32, #tpu.memory_space<vmem>>) target(%dma_start3A_150 : memref<10240x64xf32, #tpu.memory_space<vmem_shared>>) offsets(%dma_start3A_147 : memref<80xi32, #tpu.memory_space<vmem>>) semaphore(%run_scoped3A : memref<!tpu.dma_semaphore, #tpu.memory_space<semaphore_mem>>) {add = true}
        %dma_wait3A_151 = arith.constant 0 : i32
        %dma_wait3A_152 = tpu.memref_slice %arg8[%add3A_116, %dma_wait3A_151] : memref<125x80xi32, #tpu.memory_space<vmem>> -> memref<1x80xi32, #tpu.memory_space<vmem>>
        %dma_wait3A_153 = tpu.memref_squeeze %dma_wait3A_152 : memref<1x80xi32, #tpu.memory_space<vmem>> -> memref<80xi32, #tpu.memory_space<vmem>>
        %dma_wait3A_154 = arith.constant 0 : i32
        %dma_wait3A_155 = arith.constant 0 : i32
        %dma_wait3A_156 = tpu.memref_slice %arg14[%dma_wait3A_154, %dma_wait3A_155] : memref<10240x64xf32, #tpu.memory_space<vmem_shared>> -> memref<10240x64xf32, #tpu.memory_space<vmem_shared>>
        tpu.wait_indirect_dma semaphore(%run_scoped3A : memref<!tpu.dma_semaphore, #tpu.memory_space<semaphore_mem>>) src(%arg12 : memref<80x64xf32, #tpu.memory_space<vmem>>) dst(%dma_wait3A_156 : memref<10240x64xf32, #tpu.memory_space<vmem_shared>>)
        tpu.yield
      }) : () -> ()
      %add3A_117 = arith.constant 5 : i32
      %add3A_118 = arith.addi %mul3A_53, %add3A_117 : i32
      %add3A_119 = arith.constant 3 : i32
      %add3A_120 = arith.addi %add3A_118, %add3A_119 : i32
      %lt3A_121 = arith.constant 125 : i32
      %lt3A_122 = arith.cmpi slt, %add3A_120, %lt3A_121 : i32
      %convert_element_type3A_123 = arith.extui %lt3A_122 : i1 to i32
      %cond3A_124 = arith.constant 0 : i32
      %cond3A_125 = arith.cmpi ne, %convert_element_type3A_123, %cond3A_124 : i32
      scf.if %cond3A_125 {
        %add3A_145 = arith.constant 5 : i32
        %add3A_146 = arith.addi %mul3A_53, %add3A_145 : i32
        %add3A_147 = arith.constant 3 : i32
        %add3A_148 = arith.addi %add3A_146, %add3A_147 : i32
        %dma_start3A_149 = arith.constant 0 : i32
        %dma_start3A_150 = tpu.memref_slice %arg7[%add3A_148, %dma_start3A_149] : memref<125x80xi32, #tpu.memory_space<vmem>> -> memref<1x80xi32, #tpu.memory_space<vmem>>
        %dma_start3A_151 = tpu.memref_squeeze %dma_start3A_150 : memref<1x80xi32, #tpu.memory_space<vmem>> -> memref<80xi32, #tpu.memory_space<vmem>>
        %dma_start3A_152 = arith.constant 0 : i32
        %dma_start3A_153 = arith.constant 0 : i32
        %dma_start3A_154 = tpu.memref_slice %arg15[%dma_start3A_152, %dma_start3A_153] : memref<10240x64xf32, #tpu.memory_space<vmem_shared>> -> memref<10240x64xf32, #tpu.memory_space<vmem_shared>>
        tpu.enqueue_indirect_dma source(%dma_start3A_154 : memref<10240x64xf32, #tpu.memory_space<vmem_shared>>) target(%arg12 : memref<80x64xf32, #tpu.memory_space<vmem>>) offsets(%dma_start3A_151 : memref<80xi32, #tpu.memory_space<vmem>>) semaphore(%arg19 : memref<!tpu.dma_semaphore, #tpu.memory_space<semaphore_mem>>)
      } else {
      }
      %add3A_126 = arith.constant 4 : i32
      %add3A_127 = arith.addi %mul3A_53, %add3A_126 : i32
      %dma_wait3A_128 = arith.constant 0 : i32
      %dma_wait3A_129 = tpu.memref_slice %arg7[%add3A_127, %dma_wait3A_128] : memref<125x80xi32, #tpu.memory_space<vmem>> -> memref<1x80xi32, #tpu.memory_space<vmem>>
      %dma_wait3A_130 = tpu.memref_squeeze %dma_wait3A_129 : memref<1x80xi32, #tpu.memory_space<vmem>> -> memref<80xi32, #tpu.memory_space<vmem>>
      %dma_wait3A_131 = arith.constant 0 : i32
      %dma_wait3A_132 = arith.constant 0 : i32
      %dma_wait3A_133 = tpu.memref_slice %arg15[%dma_wait3A_131, %dma_wait3A_132] : memref<10240x64xf32, #tpu.memory_space<vmem_shared>> -> memref<10240x64xf32, #tpu.memory_space<vmem_shared>>
      tpu.wait_indirect_dma semaphore(%arg20 : memref<!tpu.dma_semaphore, #tpu.memory_space<semaphore_mem>>) src(%dma_wait3A_133 : memref<10240x64xf32, #tpu.memory_space<vmem_shared>>) dst(%arg13 : memref<80x64xf32, #tpu.memory_space<vmem>>)
      %add3A_134 = arith.constant 4 : i32
      %add3A_135 = arith.addi %mul3A_53, %add3A_134 : i32
      "tpu.region"() ({
        %run_scoped3A = tpu.sem_alloc : memref<!tpu.dma_semaphore, #tpu.memory_space<semaphore_mem>>
        %dma_start3A_145 = arith.constant 0 : i32
        %dma_start3A_146 = tpu.memref_slice %arg8[%add3A_135, %dma_start3A_145] : memref<125x80xi32, #tpu.memory_space<vmem>> -> memref<1x80xi32, #tpu.memory_space<vmem>>
        %dma_start3A_147 = tpu.memref_squeeze %dma_start3A_146 : memref<1x80xi32, #tpu.memory_space<vmem>> -> memref<80xi32, #tpu.memory_space<vmem>>
        %dma_start3A_148 = arith.constant 0 : i32
        %dma_start3A_149 = arith.constant 0 : i32
        %dma_start3A_150 = tpu.memref_slice %arg14[%dma_start3A_148, %dma_start3A_149] : memref<10240x64xf32, #tpu.memory_space<vmem_shared>> -> memref<10240x64xf32, #tpu.memory_space<vmem_shared>>
        tpu.enqueue_indirect_dma source(%arg13 : memref<80x64xf32, #tpu.memory_space<vmem>>) target(%dma_start3A_150 : memref<10240x64xf32, #tpu.memory_space<vmem_shared>>) offsets(%dma_start3A_147 : memref<80xi32, #tpu.memory_space<vmem>>) semaphore(%run_scoped3A : memref<!tpu.dma_semaphore, #tpu.memory_space<semaphore_mem>>) {add = true}
        %dma_wait3A_151 = arith.constant 0 : i32
        %dma_wait3A_152 = tpu.memref_slice %arg8[%add3A_135, %dma_wait3A_151] : memref<125x80xi32, #tpu.memory_space<vmem>> -> memref<1x80xi32, #tpu.memory_space<vmem>>
        %dma_wait3A_153 = tpu.memref_squeeze %dma_wait3A_152 : memref<1x80xi32, #tpu.memory_space<vmem>> -> memref<80xi32, #tpu.memory_space<vmem>>
        %dma_wait3A_154 = arith.constant 0 : i32
        %dma_wait3A_155 = arith.constant 0 : i32
        %dma_wait3A_156 = tpu.memref_slice %arg14[%dma_wait3A_154, %dma_wait3A_155] : memref<10240x64xf32, #tpu.memory_space<vmem_shared>> -> memref<10240x64xf32, #tpu.memory_space<vmem_shared>>
        tpu.wait_indirect_dma semaphore(%run_scoped3A : memref<!tpu.dma_semaphore, #tpu.memory_space<semaphore_mem>>) src(%arg13 : memref<80x64xf32, #tpu.memory_space<vmem>>) dst(%dma_wait3A_156 : memref<10240x64xf32, #tpu.memory_space<vmem_shared>>)
        tpu.yield
      }) : () -> ()
      %add3A_136 = arith.constant 5 : i32
      %add3A_137 = arith.addi %mul3A_53, %add3A_136 : i32
      %add3A_138 = arith.constant 4 : i32
      %add3A_139 = arith.addi %add3A_137, %add3A_138 : i32
      %lt3A_140 = arith.constant 125 : i32
      %lt3A_141 = arith.cmpi slt, %add3A_139, %lt3A_140 : i32
      %convert_element_type3A_142 = arith.extui %lt3A_141 : i1 to i32
      %cond3A_143 = arith.constant 0 : i32
      %cond3A_144 = arith.cmpi ne, %convert_element_type3A_142, %cond3A_143 : i32
      scf.if %cond3A_144 {
        %add3A_145 = arith.constant 5 : i32
        %add3A_146 = arith.addi %mul3A_53, %add3A_145 : i32
        %add3A_147 = arith.constant 4 : i32
        %add3A_148 = arith.addi %add3A_146, %add3A_147 : i32
        %dma_start3A_149 = arith.constant 0 : i32
        %dma_start3A_150 = tpu.memref_slice %arg7[%add3A_148, %dma_start3A_149] : memref<125x80xi32, #tpu.memory_space<vmem>> -> memref<1x80xi32, #tpu.memory_space<vmem>>
        %dma_start3A_151 = tpu.memref_squeeze %dma_start3A_150 : memref<1x80xi32, #tpu.memory_space<vmem>> -> memref<80xi32, #tpu.memory_space<vmem>>
        %dma_start3A_152 = arith.constant 0 : i32
        %dma_start3A_153 = arith.constant 0 : i32
        %dma_start3A_154 = tpu.memref_slice %arg15[%dma_start3A_152, %dma_start3A_153] : memref<10240x64xf32, #tpu.memory_space<vmem_shared>> -> memref<10240x64xf32, #tpu.memory_space<vmem_shared>>
        tpu.enqueue_indirect_dma source(%dma_start3A_154 : memref<10240x64xf32, #tpu.memory_space<vmem_shared>>) target(%arg13 : memref<80x64xf32, #tpu.memory_space<vmem>>) offsets(%dma_start3A_151 : memref<80xi32, #tpu.memory_space<vmem>>) semaphore(%arg20 : memref<!tpu.dma_semaphore, #tpu.memory_space<semaphore_mem>>)
      } else {
      }
    }
    %scan3A_45 = arith.constant 25 : i32
    %barrier3A_46 = arith.constant 0 : index
    tpu.barrier barrier_id(%barrier3A_46)
    %mul3A_47 = arith.constant 640 : i32
    %mul3A_48 = arith.muli %arg1, %mul3A_47 : i32
    %mul3A_49 = arith.constant 640 : i32
    %mul3A_50 = arith.muli %arg1, %mul3A_49 : i32
    "tpu.region"() ({
      %run_scoped3A = tpu.sem_alloc : memref<!tpu.dma_semaphore, #tpu.memory_space<semaphore_mem>>
      %dma_start3A_51 = arith.constant 0 : i32
      %dma_start3A_52 = arith.constant 0 : i32
      %dma_start3A_53 = tpu.memref_slice %arg6[%arg0, %dma_start3A_51, %dma_start3A_52] : memref<2x10240x64xf32, #tpu.memory_space<hbm>> -> memref<1x10240x64xf32, #tpu.memory_space<hbm>>
      %dma_start3A_54 = tpu.memref_squeeze %dma_start3A_53 : memref<1x10240x64xf32, #tpu.memory_space<hbm>> -> memref<10240x64xf32, #tpu.memory_space<hbm>>
      %dma_start3A_55 = arith.constant 0 : i32
      %dma_start3A_56 = tpu.memref_slice %dma_start3A_54[%mul3A_50, %dma_start3A_55] : memref<10240x64xf32, #tpu.memory_space<hbm>> -> memref<640x64xf32, #tpu.memory_space<hbm>>
      %dma_start3A_57 = arith.constant 0 : i32
      %dma_start3A_58 = tpu.memref_slice %arg14[%mul3A_48, %dma_start3A_57] : memref<10240x64xf32, #tpu.memory_space<vmem_shared>> -> memref<640x64xf32, #tpu.memory_space<vmem_shared>>
      tpu.enqueue_dma source(%dma_start3A_58 : memref<640x64xf32, #tpu.memory_space<vmem_shared>>) target(%dma_start3A_56 : memref<640x64xf32, #tpu.memory_space<hbm>>) target_semaphore(%run_scoped3A : memref<!tpu.dma_semaphore, #tpu.memory_space<semaphore_mem>>)
      %dma_wait3A = arith.constant 0 : i32
      %dma_wait3A_59 = arith.constant 0 : i32
      %dma_wait3A_60 = tpu.memref_slice %arg6[%arg0, %dma_wait3A, %dma_wait3A_59] : memref<2x10240x64xf32, #tpu.memory_space<hbm>> -> memref<1x10240x64xf32, #tpu.memory_space<hbm>>
      %dma_wait3A_61 = tpu.memref_squeeze %dma_wait3A_60 : memref<1x10240x64xf32, #tpu.memory_space<hbm>> -> memref<10240x64xf32, #tpu.memory_space<hbm>>
      %dma_wait3A_62 = arith.constant 0 : i32
      %dma_wait3A_63 = tpu.memref_slice %dma_wait3A_61[%mul3A_50, %dma_wait3A_62] : memref<10240x64xf32, #tpu.memory_space<hbm>> -> memref<640x64xf32, #tpu.memory_space<hbm>>
      %dma_wait3A_64 = arith.constant 0 : i32
      %dma_wait3A_65 = tpu.memref_slice %arg14[%mul3A_48, %dma_wait3A_64] : memref<10240x64xf32, #tpu.memory_space<vmem_shared>> -> memref<640x64xf32, #tpu.memory_space<vmem_shared>>
      tpu.wait_dma2 semaphore(%run_scoped3A : memref<!tpu.dma_semaphore, #tpu.memory_space<semaphore_mem>>) src(%dma_wait3A_65 : memref<640x64xf32, #tpu.memory_space<vmem_shared>>) dst(%dma_wait3A_63 : memref<640x64xf32, #tpu.memory_space<hbm>>)
      tpu.yield
    }) : () -> ()
    return
  }
}

#map = affine_map<(d0, d1) -> (0, 0)>
#map1 = affine_map<(d0, d1) -> (0, 0, 0)>
module attributes {stable_mosaic.version = 14 : i64} {
  func.func @body(%arg0: i32, %arg1: i32, %arg2: memref<10240x64xf32, #tpu.memory_space<hbm>>, %arg3: memref<32x125x80xi32, #tpu.memory_space<hbm>>, %arg4: memref<32x125x80xi32, #tpu.memory_space<hbm>>, %arg5: memref<640x64xf32, #tpu.memory_space<hbm>>, %arg6: memref<2x10240x64xf32, #tpu.memory_space<hbm>>, %arg7: memref<125x80xi32, #tpu.memory_space<vmem>>, %arg8: memref<125x80xi32, #tpu.memory_space<vmem>>, %arg9: memref<80x64xf32, #tpu.memory_space<vmem>>, %arg10: memref<80x64xf32, #tpu.memory_space<vmem>>, %arg11: memref<80x64xf32, #tpu.memory_space<vmem>>, %arg12: memref<80x64xf32, #tpu.memory_space<vmem>>, %arg13: memref<80x64xf32, #tpu.memory_space<vmem>>, %arg14: memref<10240x64xf32, #tpu.memory_space<vmem_shared>>, %arg15: memref<10240x64xf32, #tpu.memory_space<vmem_shared>>, %arg16: memref<!tpu.dma_semaphore, #tpu.memory_space<semaphore_mem>>, %arg17: memref<!tpu.dma_semaphore, #tpu.memory_space<semaphore_mem>>, %arg18: memref<!tpu.dma_semaphore, #tpu.memory_space<semaphore_mem>>, %arg19: memref<!tpu.dma_semaphore, #tpu.memory_space<semaphore_mem>>, %arg20: memref<!tpu.dma_semaphore, #tpu.memory_space<semaphore_mem>>) attributes {dimension_semantics = [#tpu.dimension_semantics<core_parallel>, #tpu.dimension_semantics<subcore_parallel>], iteration_bounds = array<i64: 2, 16>, scalar_prefetch = 0 : i64, scratch_operands = 14 : i64, tpu.core_type = #tpu.core_type<sc_vector_subcore>, window_params = [{transform_indices = #map}, {transform_indices = #map1}, {transform_indices = #map1}, {transform_indices = #map}, {transform_indices = #map1}]} {
    %mul3A = arith.constant 16 : i32
    %mul3A_0 = arith.muli %arg0, %mul3A : i32
    %add3A = arith.addi %mul3A_0, %arg1 : i32
    "tpu.region"() ({
      %run_scoped3A = tpu.sem_alloc : memref<!tpu.dma_semaphore, #tpu.memory_space<semaphore_mem>>
      %dma_start3A_51 = arith.constant 0 : i32
      %dma_start3A_52 = arith.constant 0 : i32
      %dma_start3A_53 = tpu.memref_slice %arg3[%add3A, %dma_start3A_51, %dma_start3A_52] : memref<32x125x80xi32, #tpu.memory_space<hbm>> -> memref<1x125x80xi32, #tpu.memory_space<hbm>>
      %dma_start3A_54 = tpu.memref_squeeze %dma_start3A_53 : memref<1x125x80xi32, #tpu.memory_space<hbm>> -> memref<125x80xi32, #tpu.memory_space<hbm>>
      %dma_start3A_55 = arith.constant 0 : i32
      %dma_start3A_56 = arith.constant 0 : i32
      %dma_start3A_57 = tpu.memref_slice %arg3[%add3A, %dma_start3A_55, %dma_start3A_56] : memref<32x125x80xi32, #tpu.memory_space<hbm>> -> memref<1x125x80xi32, #tpu.memory_space<hbm>>
      %dma_start3A_58 = tpu.memref_squeeze %dma_start3A_57 : memref<1x125x80xi32, #tpu.memory_space<hbm>> -> memref<125x80xi32, #tpu.memory_space<hbm>>
      tpu.enqueue_dma source(%dma_start3A_58 : memref<125x80xi32, #tpu.memory_space<hbm>>) target(%arg7 : memref<125x80xi32, #tpu.memory_space<vmem>>) target_semaphore(%run_scoped3A : memref<!tpu.dma_semaphore, #tpu.memory_space<semaphore_mem>>)
      %dma_wait3A = arith.constant 0 : i32
      %dma_wait3A_59 = arith.constant 0 : i32
      %dma_wait3A_60 = tpu.memref_slice %arg3[%add3A, %dma_wait3A, %dma_wait3A_59] : memref<32x125x80xi32, #tpu.memory_space<hbm>> -> memref<1x125x80xi32, #tpu.memory_space<hbm>>
      %dma_wait3A_61 = tpu.memref_squeeze %dma_wait3A_60 : memref<1x125x80xi32, #tpu.memory_space<hbm>> -> memref<125x80xi32, #tpu.memory_space<hbm>>
      %dma_wait3A_62 = arith.constant 0 : i32
      %dma_wait3A_63 = arith.constant 0 : i32
      %dma_wait3A_64 = tpu.memref_slice %arg3[%add3A, %dma_wait3A_62, %dma_wait3A_63] : memref<32x125x80xi32, #tpu.memory_space<hbm>> -> memref<1x125x80xi32, #tpu.memory_space<hbm>>
      %dma_wait3A_65 = tpu.memref_squeeze %dma_wait3A_64 : memref<1x125x80xi32, #tpu.memory_space<hbm>> -> memref<125x80xi32, #tpu.memory_space<hbm>>
      tpu.wait_dma2 semaphore(%run_scoped3A : memref<!tpu.dma_semaphore, #tpu.memory_space<semaphore_mem>>) src(%dma_wait3A_65 : memref<125x80xi32, #tpu.memory_space<hbm>>) dst(%arg7 : memref<125x80xi32, #tpu.memory_space<vmem>>)
      tpu.yield
    }) : () -> ()
    "tpu.region"() ({
      %run_scoped3A = tpu.sem_alloc : memref<!tpu.dma_semaphore, #tpu.memory_space<semaphore_mem>>
      %dma_start3A_51 = arith.constant 0 : i32
      %dma_start3A_52 = arith.constant 0 : i32
      %dma_start3A_53 = tpu.memref_slice %arg4[%add3A, %dma_start3A_51, %dma_start3A_52] : memref<32x125x80xi32, #tpu.memory_space<hbm>> -> memref<1x125x80xi32, #tpu.memory_space<hbm>>
      %dma_start3A_54 = tpu.memref_squeeze %dma_start3A_53 : memref<1x125x80xi32, #tpu.memory_space<hbm>> -> memref<125x80xi32, #tpu.memory_space<hbm>>
      %dma_start3A_55 = arith.constant 0 : i32
      %dma_start3A_56 = arith.constant 0 : i32
      %dma_start3A_57 = tpu.memref_slice %arg4[%add3A, %dma_start3A_55, %dma_start3A_56] : memref<32x125x80xi32, #tpu.memory_space<hbm>> -> memref<1x125x80xi32, #tpu.memory_space<hbm>>
      %dma_start3A_58 = tpu.memref_squeeze %dma_start3A_57 : memref<1x125x80xi32, #tpu.memory_space<hbm>> -> memref<125x80xi32, #tpu.memory_space<hbm>>
      tpu.enqueue_dma source(%dma_start3A_58 : memref<125x80xi32, #tpu.memory_space<hbm>>) target(%arg8 : memref<125x80xi32, #tpu.memory_space<vmem>>) target_semaphore(%run_scoped3A : memref<!tpu.dma_semaphore, #tpu.memory_space<semaphore_mem>>)
      %dma_wait3A = arith.constant 0 : i32
      %dma_wait3A_59 = arith.constant 0 : i32
      %dma_wait3A_60 = tpu.memref_slice %arg4[%add3A, %dma_wait3A, %dma_wait3A_59] : memref<32x125x80xi32, #tpu.memory_space<hbm>> -> memref<1x125x80xi32, #tpu.memory_space<hbm>>
      %dma_wait3A_61 = tpu.memref_squeeze %dma_wait3A_60 : memref<1x125x80xi32, #tpu.memory_space<hbm>> -> memref<125x80xi32, #tpu.memory_space<hbm>>
      %dma_wait3A_62 = arith.constant 0 : i32
      %dma_wait3A_63 = arith.constant 0 : i32
      %dma_wait3A_64 = tpu.memref_slice %arg4[%add3A, %dma_wait3A_62, %dma_wait3A_63] : memref<32x125x80xi32, #tpu.memory_space<hbm>> -> memref<1x125x80xi32, #tpu.memory_space<hbm>>
      %dma_wait3A_65 = tpu.memref_squeeze %dma_wait3A_64 : memref<1x125x80xi32, #tpu.memory_space<hbm>> -> memref<125x80xi32, #tpu.memory_space<hbm>>
      tpu.wait_dma2 semaphore(%run_scoped3A : memref<!tpu.dma_semaphore, #tpu.memory_space<semaphore_mem>>) src(%dma_wait3A_65 : memref<125x80xi32, #tpu.memory_space<hbm>>) dst(%arg8 : memref<125x80xi32, #tpu.memory_space<vmem>>)
      tpu.yield
    }) : () -> ()
    %mul3A_1 = arith.constant 640 : i32
    %mul3A_2 = arith.muli %arg1, %mul3A_1 : i32
    %mul3A_3 = arith.constant 640 : i32
    %mul3A_4 = arith.muli %arg1, %mul3A_3 : i32
    "tpu.region"() ({
      %run_scoped3A = tpu.sem_alloc : memref<!tpu.dma_semaphore, #tpu.memory_space<semaphore_mem>>
      %dma_start3A_51 = arith.constant 0 : i32
      %dma_start3A_52 = tpu.memref_slice %arg15[%mul3A_4, %dma_start3A_51] : memref<10240x64xf32, #tpu.memory_space<vmem_shared>> -> memref<640x64xf32, #tpu.memory_space<vmem_shared>>
      %dma_start3A_53 = arith.constant 0 : i32
      %dma_start3A_54 = tpu.memref_slice %arg2[%mul3A_2, %dma_start3A_53] : memref<10240x64xf32, #tpu.memory_space<hbm>> -> memref<640x64xf32, #tpu.memory_space<hbm>>
      tpu.enqueue_dma source(%dma_start3A_54 : memref<640x64xf32, #tpu.memory_space<hbm>>) target(%dma_start3A_52 : memref<640x64xf32, #tpu.memory_space<vmem_shared>>) target_semaphore(%run_scoped3A : memref<!tpu.dma_semaphore, #tpu.memory_space<semaphore_mem>>)
      %dma_wait3A = arith.constant 0 : i32
      %dma_wait3A_55 = tpu.memref_slice %arg15[%mul3A_4, %dma_wait3A] : memref<10240x64xf32, #tpu.memory_space<vmem_shared>> -> memref<640x64xf32, #tpu.memory_space<vmem_shared>>
      %dma_wait3A_56 = arith.constant 0 : i32
      %dma_wait3A_57 = tpu.memref_slice %arg2[%mul3A_2, %dma_wait3A_56] : memref<10240x64xf32, #tpu.memory_space<hbm>> -> memref<640x64xf32, #tpu.memory_space<hbm>>
      tpu.wait_dma2 semaphore(%run_scoped3A : memref<!tpu.dma_semaphore, #tpu.memory_space<semaphore_mem>>) src(%dma_wait3A_57 : memref<640x64xf32, #tpu.memory_space<hbm>>) dst(%dma_wait3A_55 : memref<640x64xf32, #tpu.memory_space<vmem_shared>>)
      tpu.yield
    }) : () -> ()
    %mul3A_5 = arith.constant 640 : i32
    %mul3A_6 = arith.muli %arg1, %mul3A_5 : i32
    "tpu.region"() ({
      %run_scoped3A = tpu.sem_alloc : memref<!tpu.dma_semaphore, #tpu.memory_space<semaphore_mem>>
      %dma_start3A_51 = arith.constant 0 : i32
      %dma_start3A_52 = tpu.memref_slice %arg14[%mul3A_6, %dma_start3A_51] : memref<10240x64xf32, #tpu.memory_space<vmem_shared>> -> memref<640x64xf32, #tpu.memory_space<vmem_shared>>
      tpu.enqueue_dma source(%arg5 : memref<640x64xf32, #tpu.memory_space<hbm>>) target(%dma_start3A_52 : memref<640x64xf32, #tpu.memory_space<vmem_shared>>) target_semaphore(%run_scoped3A : memref<!tpu.dma_semaphore, #tpu.memory_space<semaphore_mem>>)
      %dma_wait3A = arith.constant 0 : i32
      %dma_wait3A_53 = tpu.memref_slice %arg14[%mul3A_6, %dma_wait3A] : memref<10240x64xf32, #tpu.memory_space<vmem_shared>> -> memref<640x64xf32, #tpu.memory_space<vmem_shared>>
      tpu.wait_dma2 semaphore(%run_scoped3A : memref<!tpu.dma_semaphore, #tpu.memory_space<semaphore_mem>>) src(%arg5 : memref<640x64xf32, #tpu.memory_space<hbm>>) dst(%dma_wait3A_53 : memref<640x64xf32, #tpu.memory_space<vmem_shared>>)
      tpu.yield
    }) : () -> ()
    %barrier3A = arith.constant 0 : index
    tpu.barrier barrier_id(%barrier3A)
    %dma_start3A = arith.constant 0 : i32
    %dma_start3A_7 = arith.constant 0 : i32
    %dma_start3A_8 = tpu.memref_slice %arg7[%dma_start3A, %dma_start3A_7] : memref<125x80xi32, #tpu.memory_space<vmem>> -> memref<1x80xi32, #tpu.memory_space<vmem>>
    %dma_start3A_9 = tpu.memref_squeeze %dma_start3A_8 : memref<1x80xi32, #tpu.memory_space<vmem>> -> memref<80xi32, #tpu.memory_space<vmem>>
    %dma_start3A_10 = arith.constant 0 : i32
    %dma_start3A_11 = arith.constant 0 : i32
    %dma_start3A_12 = tpu.memref_slice %arg15[%dma_start3A_10, %dma_start3A_11] : memref<10240x64xf32, #tpu.memory_space<vmem_shared>> -> memref<10240x64xf32, #tpu.memory_space<vmem_shared>>
    tpu.enqueue_indirect_dma source(%dma_start3A_12 : memref<10240x64xf32, #tpu.memory_space<vmem_shared>>) target(%arg9 : memref<80x64xf32, #tpu.memory_space<vmem>>) offsets(%dma_start3A_9 : memref<80xi32, #tpu.memory_space<vmem>>) semaphore(%arg16 : memref<!tpu.dma_semaphore, #tpu.memory_space<semaphore_mem>>)
    %dma_start3A_13 = arith.constant 1 : i32
    %dma_start3A_14 = arith.constant 0 : i32
    %dma_start3A_15 = tpu.memref_slice %arg7[%dma_start3A_13, %dma_start3A_14] : memref<125x80xi32, #tpu.memory_space<vmem>> -> memref<1x80xi32, #tpu.memory_space<vmem>>
    %dma_start3A_16 = tpu.memref_squeeze %dma_start3A_15 : memref<1x80xi32, #tpu.memory_space<vmem>> -> memref<80xi32, #tpu.memory_space<vmem>>
    %dma_start3A_17 = arith.constant 0 : i32
    %dma_start3A_18 = arith.constant 0 : i32
    %dma_start3A_19 = tpu.memref_slice %arg15[%dma_start3A_17, %dma_start3A_18] : memref<10240x64xf32, #tpu.memory_space<vmem_shared>> -> memref<10240x64xf32, #tpu.memory_space<vmem_shared>>
    tpu.enqueue_indirect_dma source(%dma_start3A_19 : memref<10240x64xf32, #tpu.memory_space<vmem_shared>>) target(%arg10 : memref<80x64xf32, #tpu.memory_space<vmem>>) offsets(%dma_start3A_16 : memref<80xi32, #tpu.memory_space<vmem>>) semaphore(%arg17 : memref<!tpu.dma_semaphore, #tpu.memory_space<semaphore_mem>>)
    %dma_start3A_20 = arith.constant 2 : i32
    %dma_start3A_21 = arith.constant 0 : i32
    %dma_start3A_22 = tpu.memref_slice %arg7[%dma_start3A_20, %dma_start3A_21] : memref<125x80xi32, #tpu.memory_space<vmem>> -> memref<1x80xi32, #tpu.memory_space<vmem>>
    %dma_start3A_23 = tpu.memref_squeeze %dma_start3A_22 : memref<1x80xi32, #tpu.memory_space<vmem>> -> memref<80xi32, #tpu.memory_space<vmem>>
    %dma_start3A_24 = arith.constant 0 : i32
    %dma_start3A_25 = arith.constant 0 : i32
    %dma_start3A_26 = tpu.memref_slice %arg15[%dma_start3A_24, %dma_start3A_25] : memref<10240x64xf32, #tpu.memory_space<vmem_shared>> -> memref<10240x64xf32, #tpu.memory_space<vmem_shared>>
    tpu.enqueue_indirect_dma source(%dma_start3A_26 : memref<10240x64xf32, #tpu.memory_space<vmem_shared>>) target(%arg11 : memref<80x64xf32, #tpu.memory_space<vmem>>) offsets(%dma_start3A_23 : memref<80xi32, #tpu.memory_space<vmem>>) semaphore(%arg18 : memref<!tpu.dma_semaphore, #tpu.memory_space<semaphore_mem>>)
    %dma_start3A_27 = arith.constant 3 : i32
    %dma_start3A_28 = arith.constant 0 : i32
    %dma_start3A_29 = tpu.memref_slice %arg7[%dma_start3A_27, %dma_start3A_28] : memref<125x80xi32, #tpu.memory_space<vmem>> -> memref<1x80xi32, #tpu.memory_space<vmem>>
    %dma_start3A_30 = tpu.memref_squeeze %dma_start3A_29 : memref<1x80xi32, #tpu.memory_space<vmem>> -> memref<80xi32, #tpu.memory_space<vmem>>
    %dma_start3A_31 = arith.constant 0 : i32
    %dma_start3A_32 = arith.constant 0 : i32
    %dma_start3A_33 = tpu.memref_slice %arg15[%dma_start3A_31, %dma_start3A_32] : memref<10240x64xf32, #tpu.memory_space<vmem_shared>> -> memref<10240x64xf32, #tpu.memory_space<vmem_shared>>
    tpu.enqueue_indirect_dma source(%dma_start3A_33 : memref<10240x64xf32, #tpu.memory_space<vmem_shared>>) target(%arg12 : memref<80x64xf32, #tpu.memory_space<vmem>>) offsets(%dma_start3A_30 : memref<80xi32, #tpu.memory_space<vmem>>) semaphore(%arg19 : memref<!tpu.dma_semaphore, #tpu.memory_space<semaphore_mem>>)
    %dma_start3A_34 = arith.constant 4 : i32
    %dma_start3A_35 = arith.constant 0 : i32
    %dma_start3A_36 = tpu.memref_slice %arg7[%dma_start3A_34, %dma_start3A_35] : memref<125x80xi32, #tpu.memory_space<vmem>> -> memref<1x80xi32, #tpu.memory_space<vmem>>
    %dma_start3A_37 = tpu.memref_squeeze %dma_start3A_36 : memref<1x80xi32, #tpu.memory_space<vmem>> -> memref<80xi32, #tpu.memory_space<vmem>>
    %dma_start3A_38 = arith.constant 0 : i32
    %dma_start3A_39 = arith.constant 0 : i32
    %dma_start3A_40 = tpu.memref_slice %arg15[%dma_start3A_38, %dma_start3A_39] : memref<10240x64xf32, #tpu.memory_space<vmem_shared>> -> memref<10240x64xf32, #tpu.memory_space<vmem_shared>>
    tpu.enqueue_indirect_dma source(%dma_start3A_40 : memref<10240x64xf32, #tpu.memory_space<vmem_shared>>) target(%arg13 : memref<80x64xf32, #tpu.memory_space<vmem>>) offsets(%dma_start3A_37 : memref<80xi32, #tpu.memory_space<vmem>>) semaphore(%arg20 : memref<!tpu.dma_semaphore, #tpu.memory_space<semaphore_mem>>)
    %scan3A = arith.constant 0 : i32
    %scan3A_41 = arith.constant 0 : i32
    %scan3A_42 = arith.constant 25 : i32
    %scan3A_43 = arith.addi %scan3A_41, %scan3A_42 : i32
    %scan3A_44 = arith.constant 1 : i32
    scf.for %scan3A_51 = %scan3A_41 to %scan3A_43 step %scan3A_44  : i32 {
      %mul3A_52 = arith.constant 5 : i32
      %mul3A_53 = arith.muli %mul3A_52, %scan3A_51 : i32
      %add3A_54 = arith.constant 0 : i32
      %add3A_55 = arith.addi %mul3A_53, %add3A_54 : i32
      %dma_wait3A = arith.constant 0 : i32
      %dma_wait3A_56 = tpu.memref_slice %arg7[%add3A_55, %dma_wait3A] : memref<125x80xi32, #tpu.memory_space<vmem>> -> memref<1x80xi32, #tpu.memory_space<vmem>>
      %dma_wait3A_57 = tpu.memref_squeeze %dma_wait3A_56 : memref<1x80xi32, #tpu.memory_space<vmem>> -> memref<80xi32, #tpu.memory_space<vmem>>
      %dma_wait3A_58 = arith.constant 0 : i32
      %dma_wait3A_59 = arith.constant 0 : i32
      %dma_wait3A_60 = tpu.memref_slice %arg15[%dma_wait3A_58, %dma_wait3A_59] : memref<10240x64xf32, #tpu.memory_space<vmem_shared>> -> memref<10240x64xf32, #tpu.memory_space<vmem_shared>>
      tpu.wait_indirect_dma semaphore(%arg16 : memref<!tpu.dma_semaphore, #tpu.memory_space<semaphore_mem>>) src(%dma_wait3A_60 : memref<10240x64xf32, #tpu.memory_space<vmem_shared>>) dst(%arg9 : memref<80x64xf32, #tpu.memory_space<vmem>>)
      %add3A_61 = arith.constant 0 : i32
      %add3A_62 = arith.addi %mul3A_53, %add3A_61 : i32
      "tpu.region"() ({
        %run_scoped3A = tpu.sem_alloc : memref<!tpu.dma_semaphore, #tpu.memory_space<semaphore_mem>>
        %dma_start3A_145 = arith.constant 0 : i32
        %dma_start3A_146 = tpu.memref_slice %arg8[%add3A_62, %dma_start3A_145] : memref<125x80xi32, #tpu.memory_space<vmem>> -> memref<1x80xi32, #tpu.memory_space<vmem>>
        %dma_start3A_147 = tpu.memref_squeeze %dma_start3A_146 : memref<1x80xi32, #tpu.memory_space<vmem>> -> memref<80xi32, #tpu.memory_space<vmem>>
        %dma_start3A_148 = arith.constant 0 : i32
        %dma_start3A_149 = arith.constant 0 : i32
        %dma_start3A_150 = tpu.memref_slice %arg14[%dma_start3A_148, %dma_start3A_149] : memref<10240x64xf32, #tpu.memory_space<vmem_shared>> -> memref<10240x64xf32, #tpu.memory_space<vmem_shared>>
        tpu.enqueue_indirect_dma source(%arg9 : memref<80x64xf32, #tpu.memory_space<vmem>>) target(%dma_start3A_150 : memref<10240x64xf32, #tpu.memory_space<vmem_shared>>) offsets(%dma_start3A_147 : memref<80xi32, #tpu.memory_space<vmem>>) semaphore(%run_scoped3A : memref<!tpu.dma_semaphore, #tpu.memory_space<semaphore_mem>>) {add = true}
        %dma_wait3A_151 = arith.constant 0 : i32
        %dma_wait3A_152 = tpu.memref_slice %arg8[%add3A_62, %dma_wait3A_151] : memref<125x80xi32, #tpu.memory_space<vmem>> -> memref<1x80xi32, #tpu.memory_space<vmem>>
        %dma_wait3A_153 = tpu.memref_squeeze %dma_wait3A_152 : memref<1x80xi32, #tpu.memory_space<vmem>> -> memref<80xi32, #tpu.memory_space<vmem>>
        %dma_wait3A_154 = arith.constant 0 : i32
        %dma_wait3A_155 = arith.constant 0 : i32
        %dma_wait3A_156 = tpu.memref_slice %arg14[%dma_wait3A_154, %dma_wait3A_155] : memref<10240x64xf32, #tpu.memory_space<vmem_shared>> -> memref<10240x64xf32, #tpu.memory_space<vmem_shared>>
        tpu.wait_indirect_dma semaphore(%run_scoped3A : memref<!tpu.dma_semaphore, #tpu.memory_space<semaphore_mem>>) src(%arg9 : memref<80x64xf32, #tpu.memory_space<vmem>>) dst(%dma_wait3A_156 : memref<10240x64xf32, #tpu.memory_space<vmem_shared>>)
        tpu.yield
      }) : () -> ()
      %add3A_63 = arith.constant 5 : i32
      %add3A_64 = arith.addi %mul3A_53, %add3A_63 : i32
      %add3A_65 = arith.constant 0 : i32
      %add3A_66 = arith.addi %add3A_64, %add3A_65 : i32
      %lt3A = arith.constant 125 : i32
      %lt3A_67 = arith.cmpi slt, %add3A_66, %lt3A : i32
      %convert_element_type3A = arith.extui %lt3A_67 : i1 to i32
      %cond3A = arith.constant 0 : i32
      %cond3A_68 = arith.cmpi ne, %convert_element_type3A, %cond3A : i32
      scf.if %cond3A_68 {
        %add3A_145 = arith.constant 5 : i32
        %add3A_146 = arith.addi %mul3A_53, %add3A_145 : i32
        %add3A_147 = arith.constant 0 : i32
        %add3A_148 = arith.addi %add3A_146, %add3A_147 : i32
        %dma_start3A_149 = arith.constant 0 : i32
        %dma_start3A_150 = tpu.memref_slice %arg7[%add3A_148, %dma_start3A_149] : memref<125x80xi32, #tpu.memory_space<vmem>> -> memref<1x80xi32, #tpu.memory_space<vmem>>
        %dma_start3A_151 = tpu.memref_squeeze %dma_start3A_150 : memref<1x80xi32, #tpu.memory_space<vmem>> -> memref<80xi32, #tpu.memory_space<vmem>>
        %dma_start3A_152 = arith.constant 0 : i32
        %dma_start3A_153 = arith.constant 0 : i32
        %dma_start3A_154 = tpu.memref_slice %arg15[%dma_start3A_152, %dma_start3A_153] : memref<10240x64xf32, #tpu.memory_space<vmem_shared>> -> memref<10240x64xf32, #tpu.memory_space<vmem_shared>>
        tpu.enqueue_indirect_dma source(%dma_start3A_154 : memref<10240x64xf32, #tpu.memory_space<vmem_shared>>) target(%arg9 : memref<80x64xf32, #tpu.memory_space<vmem>>) offsets(%dma_start3A_151 : memref<80xi32, #tpu.memory_space<vmem>>) semaphore(%arg16 : memref<!tpu.dma_semaphore, #tpu.memory_space<semaphore_mem>>)
      } else {
      }
      %add3A_69 = arith.constant 1 : i32
      %add3A_70 = arith.addi %mul3A_53, %add3A_69 : i32
      %dma_wait3A_71 = arith.constant 0 : i32
      %dma_wait3A_72 = tpu.memref_slice %arg7[%add3A_70, %dma_wait3A_71] : memref<125x80xi32, #tpu.memory_space<vmem>> -> memref<1x80xi32, #tpu.memory_space<vmem>>
      %dma_wait3A_73 = tpu.memref_squeeze %dma_wait3A_72 : memref<1x80xi32, #tpu.memory_space<vmem>> -> memref<80xi32, #tpu.memory_space<vmem>>
      %dma_wait3A_74 = arith.constant 0 : i32
      %dma_wait3A_75 = arith.constant 0 : i32
      %dma_wait3A_76 = tpu.memref_slice %arg15[%dma_wait3A_74, %dma_wait3A_75] : memref<10240x64xf32, #tpu.memory_space<vmem_shared>> -> memref<10240x64xf32, #tpu.memory_space<vmem_shared>>
      tpu.wait_indirect_dma semaphore(%arg17 : memref<!tpu.dma_semaphore, #tpu.memory_space<semaphore_mem>>) src(%dma_wait3A_76 : memref<10240x64xf32, #tpu.memory_space<vmem_shared>>) dst(%arg10 : memref<80x64xf32, #tpu.memory_space<vmem>>)
      %add3A_77 = arith.constant 1 : i32
      %add3A_78 = arith.addi %mul3A_53, %add3A_77 : i32
      "tpu.region"() ({
        %run_scoped3A = tpu.sem_alloc : memref<!tpu.dma_semaphore, #tpu.memory_space<semaphore_mem>>
        %dma_start3A_145 = arith.constant 0 : i32
        %dma_start3A_146 = tpu.memref_slice %arg8[%add3A_78, %dma_start3A_145] : memref<125x80xi32, #tpu.memory_space<vmem>> -> memref<1x80xi32, #tpu.memory_space<vmem>>
        %dma_start3A_147 = tpu.memref_squeeze %dma_start3A_146 : memref<1x80xi32, #tpu.memory_space<vmem>> -> memref<80xi32, #tpu.memory_space<vmem>>
        %dma_start3A_148 = arith.constant 0 : i32
        %dma_start3A_149 = arith.constant 0 : i32
        %dma_start3A_150 = tpu.memref_slice %arg14[%dma_start3A_148, %dma_start3A_149] : memref<10240x64xf32, #tpu.memory_space<vmem_shared>> -> memref<10240x64xf32, #tpu.memory_space<vmem_shared>>
        tpu.enqueue_indirect_dma source(%arg10 : memref<80x64xf32, #tpu.memory_space<vmem>>) target(%dma_start3A_150 : memref<10240x64xf32, #tpu.memory_space<vmem_shared>>) offsets(%dma_start3A_147 : memref<80xi32, #tpu.memory_space<vmem>>) semaphore(%run_scoped3A : memref<!tpu.dma_semaphore, #tpu.memory_space<semaphore_mem>>) {add = true}
        %dma_wait3A_151 = arith.constant 0 : i32
        %dma_wait3A_152 = tpu.memref_slice %arg8[%add3A_78, %dma_wait3A_151] : memref<125x80xi32, #tpu.memory_space<vmem>> -> memref<1x80xi32, #tpu.memory_space<vmem>>
        %dma_wait3A_153 = tpu.memref_squeeze %dma_wait3A_152 : memref<1x80xi32, #tpu.memory_space<vmem>> -> memref<80xi32, #tpu.memory_space<vmem>>
        %dma_wait3A_154 = arith.constant 0 : i32
        %dma_wait3A_155 = arith.constant 0 : i32
        %dma_wait3A_156 = tpu.memref_slice %arg14[%dma_wait3A_154, %dma_wait3A_155] : memref<10240x64xf32, #tpu.memory_space<vmem_shared>> -> memref<10240x64xf32, #tpu.memory_space<vmem_shared>>
        tpu.wait_indirect_dma semaphore(%run_scoped3A : memref<!tpu.dma_semaphore, #tpu.memory_space<semaphore_mem>>) src(%arg10 : memref<80x64xf32, #tpu.memory_space<vmem>>) dst(%dma_wait3A_156 : memref<10240x64xf32, #tpu.memory_space<vmem_shared>>)
        tpu.yield
      }) : () -> ()
      %add3A_79 = arith.constant 5 : i32
      %add3A_80 = arith.addi %mul3A_53, %add3A_79 : i32
      %add3A_81 = arith.constant 1 : i32
      %add3A_82 = arith.addi %add3A_80, %add3A_81 : i32
      %lt3A_83 = arith.constant 125 : i32
      %lt3A_84 = arith.cmpi slt, %add3A_82, %lt3A_83 : i32
      %convert_element_type3A_85 = arith.extui %lt3A_84 : i1 to i32
      %cond3A_86 = arith.constant 0 : i32
      %cond3A_87 = arith.cmpi ne, %convert_element_type3A_85, %cond3A_86 : i32
      scf.if %cond3A_87 {
        %add3A_145 = arith.constant 5 : i32
        %add3A_146 = arith.addi %mul3A_53, %add3A_145 : i32
        %add3A_147 = arith.constant 1 : i32
        %add3A_148 = arith.addi %add3A_146, %add3A_147 : i32
        %dma_start3A_149 = arith.constant 0 : i32
        %dma_start3A_150 = tpu.memref_slice %arg7[%add3A_148, %dma_start3A_149] : memref<125x80xi32, #tpu.memory_space<vmem>> -> memref<1x80xi32, #tpu.memory_space<vmem>>
        %dma_start3A_151 = tpu.memref_squeeze %dma_start3A_150 : memref<1x80xi32, #tpu.memory_space<vmem>> -> memref<80xi32, #tpu.memory_space<vmem>>
        %dma_start3A_152 = arith.constant 0 : i32
        %dma_start3A_153 = arith.constant 0 : i32
        %dma_start3A_154 = tpu.memref_slice %arg15[%dma_start3A_152, %dma_start3A_153] : memref<10240x64xf32, #tpu.memory_space<vmem_shared>> -> memref<10240x64xf32, #tpu.memory_space<vmem_shared>>
        tpu.enqueue_indirect_dma source(%dma_start3A_154 : memref<10240x64xf32, #tpu.memory_space<vmem_shared>>) target(%arg10 : memref<80x64xf32, #tpu.memory_space<vmem>>) offsets(%dma_start3A_151 : memref<80xi32, #tpu.memory_space<vmem>>) semaphore(%arg17 : memref<!tpu.dma_semaphore, #tpu.memory_space<semaphore_mem>>)
      } else {
      }
      %add3A_88 = arith.constant 2 : i32
      %add3A_89 = arith.addi %mul3A_53, %add3A_88 : i32
      %dma_wait3A_90 = arith.constant 0 : i32
      %dma_wait3A_91 = tpu.memref_slice %arg7[%add3A_89, %dma_wait3A_90] : memref<125x80xi32, #tpu.memory_space<vmem>> -> memref<1x80xi32, #tpu.memory_space<vmem>>
      %dma_wait3A_92 = tpu.memref_squeeze %dma_wait3A_91 : memref<1x80xi32, #tpu.memory_space<vmem>> -> memref<80xi32, #tpu.memory_space<vmem>>
      %dma_wait3A_93 = arith.constant 0 : i32
      %dma_wait3A_94 = arith.constant 0 : i32
      %dma_wait3A_95 = tpu.memref_slice %arg15[%dma_wait3A_93, %dma_wait3A_94] : memref<10240x64xf32, #tpu.memory_space<vmem_shared>> -> memref<10240x64xf32, #tpu.memory_space<vmem_shared>>
      tpu.wait_indirect_dma semaphore(%arg18 : memref<!tpu.dma_semaphore, #tpu.memory_space<semaphore_mem>>) src(%dma_wait3A_95 : memref<10240x64xf32, #tpu.memory_space<vmem_shared>>) dst(%arg11 : memref<80x64xf32, #tpu.memory_space<vmem>>)
      %add3A_96 = arith.constant 2 : i32
      %add3A_97 = arith.addi %mul3A_53, %add3A_96 : i32
      "tpu.region"() ({
        %run_scoped3A = tpu.sem_alloc : memref<!tpu.dma_semaphore, #tpu.memory_space<semaphore_mem>>
        %dma_start3A_145 = arith.constant 0 : i32
        %dma_start3A_146 = tpu.memref_slice %arg8[%add3A_97, %dma_start3A_145] : memref<125x80xi32, #tpu.memory_space<vmem>> -> memref<1x80xi32, #tpu.memory_space<vmem>>
        %dma_start3A_147 = tpu.memref_squeeze %dma_start3A_146 : memref<1x80xi32, #tpu.memory_space<vmem>> -> memref<80xi32, #tpu.memory_space<vmem>>
        %dma_start3A_148 = arith.constant 0 : i32
        %dma_start3A_149 = arith.constant 0 : i32
        %dma_start3A_150 = tpu.memref_slice %arg14[%dma_start3A_148, %dma_start3A_149] : memref<10240x64xf32, #tpu.memory_space<vmem_shared>> -> memref<10240x64xf32, #tpu.memory_space<vmem_shared>>
        tpu.enqueue_indirect_dma source(%arg11 : memref<80x64xf32, #tpu.memory_space<vmem>>) target(%dma_start3A_150 : memref<10240x64xf32, #tpu.memory_space<vmem_shared>>) offsets(%dma_start3A_147 : memref<80xi32, #tpu.memory_space<vmem>>) semaphore(%run_scoped3A : memref<!tpu.dma_semaphore, #tpu.memory_space<semaphore_mem>>) {add = true}
        %dma_wait3A_151 = arith.constant 0 : i32
        %dma_wait3A_152 = tpu.memref_slice %arg8[%add3A_97, %dma_wait3A_151] : memref<125x80xi32, #tpu.memory_space<vmem>> -> memref<1x80xi32, #tpu.memory_space<vmem>>
        %dma_wait3A_153 = tpu.memref_squeeze %dma_wait3A_152 : memref<1x80xi32, #tpu.memory_space<vmem>> -> memref<80xi32, #tpu.memory_space<vmem>>
        %dma_wait3A_154 = arith.constant 0 : i32
        %dma_wait3A_155 = arith.constant 0 : i32
        %dma_wait3A_156 = tpu.memref_slice %arg14[%dma_wait3A_154, %dma_wait3A_155] : memref<10240x64xf32, #tpu.memory_space<vmem_shared>> -> memref<10240x64xf32, #tpu.memory_space<vmem_shared>>
        tpu.wait_indirect_dma semaphore(%run_scoped3A : memref<!tpu.dma_semaphore, #tpu.memory_space<semaphore_mem>>) src(%arg11 : memref<80x64xf32, #tpu.memory_space<vmem>>) dst(%dma_wait3A_156 : memref<10240x64xf32, #tpu.memory_space<vmem_shared>>)
        tpu.yield
      }) : () -> ()
      %add3A_98 = arith.constant 5 : i32
      %add3A_99 = arith.addi %mul3A_53, %add3A_98 : i32
      %add3A_100 = arith.constant 2 : i32
      %add3A_101 = arith.addi %add3A_99, %add3A_100 : i32
      %lt3A_102 = arith.constant 125 : i32
      %lt3A_103 = arith.cmpi slt, %add3A_101, %lt3A_102 : i32
      %convert_element_type3A_104 = arith.extui %lt3A_103 : i1 to i32
      %cond3A_105 = arith.constant 0 : i32
      %cond3A_106 = arith.cmpi ne, %convert_element_type3A_104, %cond3A_105 : i32
      scf.if %cond3A_106 {
        %add3A_145 = arith.constant 5 : i32
        %add3A_146 = arith.addi %mul3A_53, %add3A_145 : i32
        %add3A_147 = arith.constant 2 : i32
        %add3A_148 = arith.addi %add3A_146, %add3A_147 : i32
        %dma_start3A_149 = arith.constant 0 : i32
        %dma_start3A_150 = tpu.memref_slice %arg7[%add3A_148, %dma_start3A_149] : memref<125x80xi32, #tpu.memory_space<vmem>> -> memref<1x80xi32, #tpu.memory_space<vmem>>
        %dma_start3A_151 = tpu.memref_squeeze %dma_start3A_150 : memref<1x80xi32, #tpu.memory_space<vmem>> -> memref<80xi32, #tpu.memory_space<vmem>>
        %dma_start3A_152 = arith.constant 0 : i32
        %dma_start3A_153 = arith.constant 0 : i32
        %dma_start3A_154 = tpu.memref_slice %arg15[%dma_start3A_152, %dma_start3A_153] : memref<10240x64xf32, #tpu.memory_space<vmem_shared>> -> memref<10240x64xf32, #tpu.memory_space<vmem_shared>>
        tpu.enqueue_indirect_dma source(%dma_start3A_154 : memref<10240x64xf32, #tpu.memory_space<vmem_shared>>) target(%arg11 : memref<80x64xf32, #tpu.memory_space<vmem>>) offsets(%dma_start3A_151 : memref<80xi32, #tpu.memory_space<vmem>>) semaphore(%arg18 : memref<!tpu.dma_semaphore, #tpu.memory_space<semaphore_mem>>)
      } else {
      }
      %add3A_107 = arith.constant 3 : i32
      %add3A_108 = arith.addi %mul3A_53, %add3A_107 : i32
      %dma_wait3A_109 = arith.constant 0 : i32
      %dma_wait3A_110 = tpu.memref_slice %arg7[%add3A_108, %dma_wait3A_109] : memref<125x80xi32, #tpu.memory_space<vmem>> -> memref<1x80xi32, #tpu.memory_space<vmem>>
      %dma_wait3A_111 = tpu.memref_squeeze %dma_wait3A_110 : memref<1x80xi32, #tpu.memory_space<vmem>> -> memref<80xi32, #tpu.memory_space<vmem>>
      %dma_wait3A_112 = arith.constant 0 : i32
      %dma_wait3A_113 = arith.constant 0 : i32
      %dma_wait3A_114 = tpu.memref_slice %arg15[%dma_wait3A_112, %dma_wait3A_113] : memref<10240x64xf32, #tpu.memory_space<vmem_shared>> -> memref<10240x64xf32, #tpu.memory_space<vmem_shared>>
      tpu.wait_indirect_dma semaphore(%arg19 : memref<!tpu.dma_semaphore, #tpu.memory_space<semaphore_mem>>) src(%dma_wait3A_114 : memref<10240x64xf32, #tpu.memory_space<vmem_shared>>) dst(%arg12 : memref<80x64xf32, #tpu.memory_space<vmem>>)
      %add3A_115 = arith.constant 3 : i32
      %add3A_116 = arith.addi %mul3A_53, %add3A_115 : i32
      "tpu.region"() ({
        %run_scoped3A = tpu.sem_alloc : memref<!tpu.dma_semaphore, #tpu.memory_space<semaphore_mem>>
        %dma_start3A_145 = arith.constant 0 : i32
        %dma_start3A_146 = tpu.memref_slice %arg8[%add3A_116, %dma_start3A_145] : memref<125x80xi32, #tpu.memory_space<vmem>> -> memref<1x80xi32, #tpu.memory_space<vmem>>
        %dma_start3A_147 = tpu.memref_squeeze %dma_start3A_146 : memref<1x80xi32, #tpu.memory_space<vmem>> -> memref<80xi32, #tpu.memory_space<vmem>>
        %dma_start3A_148 = arith.constant 0 : i32
        %dma_start3A_149 = arith.constant 0 : i32
        %dma_start3A_150 = tpu.memref_slice %arg14[%dma_start3A_148, %dma_start3A_149] : memref<10240x64xf32, #tpu.memory_space<vmem_shared>> -> memref<10240x64xf32, #tpu.memory_space<vmem_shared>>
        tpu.enqueue_indirect_dma source(%arg12 : memref<80x64xf32, #tpu.memory_space<vmem>>) target(%dma_start3A_150 : memref<10240x64xf32, #tpu.memory_space<vmem_shared>>) offsets(%dma_start3A_147 : memref<80xi32, #tpu.memory_space<vmem>>) semaphore(%run_scoped3A : memref<!tpu.dma_semaphore, #tpu.memory_space<semaphore_mem>>) {add = true}
        %dma_wait3A_151 = arith.constant 0 : i32
        %dma_wait3A_152 = tpu.memref_slice %arg8[%add3A_116, %dma_wait3A_151] : memref<125x80xi32, #tpu.memory_space<vmem>> -> memref<1x80xi32, #tpu.memory_space<vmem>>
        %dma_wait3A_153 = tpu.memref_squeeze %dma_wait3A_152 : memref<1x80xi32, #tpu.memory_space<vmem>> -> memref<80xi32, #tpu.memory_space<vmem>>
        %dma_wait3A_154 = arith.constant 0 : i32
        %dma_wait3A_155 = arith.constant 0 : i32
        %dma_wait3A_156 = tpu.memref_slice %arg14[%dma_wait3A_154, %dma_wait3A_155] : memref<10240x64xf32, #tpu.memory_space<vmem_shared>> -> memref<10240x64xf32, #tpu.memory_space<vmem_shared>>
        tpu.wait_indirect_dma semaphore(%run_scoped3A : memref<!tpu.dma_semaphore, #tpu.memory_space<semaphore_mem>>) src(%arg12 : memref<80x64xf32, #tpu.memory_space<vmem>>) dst(%dma_wait3A_156 : memref<10240x64xf32, #tpu.memory_space<vmem_shared>>)
        tpu.yield
      }) : () -> ()
      %add3A_117 = arith.constant 5 : i32
      %add3A_118 = arith.addi %mul3A_53, %add3A_117 : i32
      %add3A_119 = arith.constant 3 : i32
      %add3A_120 = arith.addi %add3A_118, %add3A_119 : i32
      %lt3A_121 = arith.constant 125 : i32
      %lt3A_122 = arith.cmpi slt, %add3A_120, %lt3A_121 : i32
      %convert_element_type3A_123 = arith.extui %lt3A_122 : i1 to i32
      %cond3A_124 = arith.constant 0 : i32
      %cond3A_125 = arith.cmpi ne, %convert_element_type3A_123, %cond3A_124 : i32
      scf.if %cond3A_125 {
        %add3A_145 = arith.constant 5 : i32
        %add3A_146 = arith.addi %mul3A_53, %add3A_145 : i32
        %add3A_147 = arith.constant 3 : i32
        %add3A_148 = arith.addi %add3A_146, %add3A_147 : i32
        %dma_start3A_149 = arith.constant 0 : i32
        %dma_start3A_150 = tpu.memref_slice %arg7[%add3A_148, %dma_start3A_149] : memref<125x80xi32, #tpu.memory_space<vmem>> -> memref<1x80xi32, #tpu.memory_space<vmem>>
        %dma_start3A_151 = tpu.memref_squeeze %dma_start3A_150 : memref<1x80xi32, #tpu.memory_space<vmem>> -> memref<80xi32, #tpu.memory_space<vmem>>
        %dma_start3A_152 = arith.constant 0 : i32
        %dma_start3A_153 = arith.constant 0 : i32
        %dma_start3A_154 = tpu.memref_slice %arg15[%dma_start3A_152, %dma_start3A_153] : memref<10240x64xf32, #tpu.memory_space<vmem_shared>> -> memref<10240x64xf32, #tpu.memory_space<vmem_shared>>
        tpu.enqueue_indirect_dma source(%dma_start3A_154 : memref<10240x64xf32, #tpu.memory_space<vmem_shared>>) target(%arg12 : memref<80x64xf32, #tpu.memory_space<vmem>>) offsets(%dma_start3A_151 : memref<80xi32, #tpu.memory_space<vmem>>) semaphore(%arg19 : memref<!tpu.dma_semaphore, #tpu.memory_space<semaphore_mem>>)
      } else {
      }
      %add3A_126 = arith.constant 4 : i32
      %add3A_127 = arith.addi %mul3A_53, %add3A_126 : i32
      %dma_wait3A_128 = arith.constant 0 : i32
      %dma_wait3A_129 = tpu.memref_slice %arg7[%add3A_127, %dma_wait3A_128] : memref<125x80xi32, #tpu.memory_space<vmem>> -> memref<1x80xi32, #tpu.memory_space<vmem>>
      %dma_wait3A_130 = tpu.memref_squeeze %dma_wait3A_129 : memref<1x80xi32, #tpu.memory_space<vmem>> -> memref<80xi32, #tpu.memory_space<vmem>>
      %dma_wait3A_131 = arith.constant 0 : i32
      %dma_wait3A_132 = arith.constant 0 : i32
      %dma_wait3A_133 = tpu.memref_slice %arg15[%dma_wait3A_131, %dma_wait3A_132] : memref<10240x64xf32, #tpu.memory_space<vmem_shared>> -> memref<10240x64xf32, #tpu.memory_space<vmem_shared>>
      tpu.wait_indirect_dma semaphore(%arg20 : memref<!tpu.dma_semaphore, #tpu.memory_space<semaphore_mem>>) src(%dma_wait3A_133 : memref<10240x64xf32, #tpu.memory_space<vmem_shared>>) dst(%arg13 : memref<80x64xf32, #tpu.memory_space<vmem>>)
      %add3A_134 = arith.constant 4 : i32
      %add3A_135 = arith.addi %mul3A_53, %add3A_134 : i32
      "tpu.region"() ({
        %run_scoped3A = tpu.sem_alloc : memref<!tpu.dma_semaphore, #tpu.memory_space<semaphore_mem>>
        %dma_start3A_145 = arith.constant 0 : i32
        %dma_start3A_146 = tpu.memref_slice %arg8[%add3A_135, %dma_start3A_145] : memref<125x80xi32, #tpu.memory_space<vmem>> -> memref<1x80xi32, #tpu.memory_space<vmem>>
        %dma_start3A_147 = tpu.memref_squeeze %dma_start3A_146 : memref<1x80xi32, #tpu.memory_space<vmem>> -> memref<80xi32, #tpu.memory_space<vmem>>
        %dma_start3A_148 = arith.constant 0 : i32
        %dma_start3A_149 = arith.constant 0 : i32
        %dma_start3A_150 = tpu.memref_slice %arg14[%dma_start3A_148, %dma_start3A_149] : memref<10240x64xf32, #tpu.memory_space<vmem_shared>> -> memref<10240x64xf32, #tpu.memory_space<vmem_shared>>
        tpu.enqueue_indirect_dma source(%arg13 : memref<80x64xf32, #tpu.memory_space<vmem>>) target(%dma_start3A_150 : memref<10240x64xf32, #tpu.memory_space<vmem_shared>>) offsets(%dma_start3A_147 : memref<80xi32, #tpu.memory_space<vmem>>) semaphore(%run_scoped3A : memref<!tpu.dma_semaphore, #tpu.memory_space<semaphore_mem>>) {add = true}
        %dma_wait3A_151 = arith.constant 0 : i32
        %dma_wait3A_152 = tpu.memref_slice %arg8[%add3A_135, %dma_wait3A_151] : memref<125x80xi32, #tpu.memory_space<vmem>> -> memref<1x80xi32, #tpu.memory_space<vmem>>
        %dma_wait3A_153 = tpu.memref_squeeze %dma_wait3A_152 : memref<1x80xi32, #tpu.memory_space<vmem>> -> memref<80xi32, #tpu.memory_space<vmem>>
        %dma_wait3A_154 = arith.constant 0 : i32
        %dma_wait3A_155 = arith.constant 0 : i32
        %dma_wait3A_156 = tpu.memref_slice %arg14[%dma_wait3A_154, %dma_wait3A_155] : memref<10240x64xf32, #tpu.memory_space<vmem_shared>> -> memref<10240x64xf32, #tpu.memory_space<vmem_shared>>
        tpu.wait_indirect_dma semaphore(%run_scoped3A : memref<!tpu.dma_semaphore, #tpu.memory_space<semaphore_mem>>) src(%arg13 : memref<80x64xf32, #tpu.memory_space<vmem>>) dst(%dma_wait3A_156 : memref<10240x64xf32, #tpu.memory_space<vmem_shared>>)
        tpu.yield
      }) : () -> ()
      %add3A_136 = arith.constant 5 : i32
      %add3A_137 = arith.addi %mul3A_53, %add3A_136 : i32
      %add3A_138 = arith.constant 4 : i32
      %add3A_139 = arith.addi %add3A_137, %add3A_138 : i32
      %lt3A_140 = arith.constant 125 : i32
      %lt3A_141 = arith.cmpi slt, %add3A_139, %lt3A_140 : i32
      %convert_element_type3A_142 = arith.extui %lt3A_141 : i1 to i32
      %cond3A_143 = arith.constant 0 : i32
      %cond3A_144 = arith.cmpi ne, %convert_element_type3A_142, %cond3A_143 : i32
      scf.if %cond3A_144 {
        %add3A_145 = arith.constant 5 : i32
        %add3A_146 = arith.addi %mul3A_53, %add3A_145 : i32
        %add3A_147 = arith.constant 4 : i32
        %add3A_148 = arith.addi %add3A_146, %add3A_147 : i32
        %dma_start3A_149 = arith.constant 0 : i32
        %dma_start3A_150 = tpu.memref_slice %arg7[%add3A_148, %dma_start3A_149] : memref<125x80xi32, #tpu.memory_space<vmem>> -> memref<1x80xi32, #tpu.memory_space<vmem>>
        %dma_start3A_151 = tpu.memref_squeeze %dma_start3A_150 : memref<1x80xi32, #tpu.memory_space<vmem>> -> memref<80xi32, #tpu.memory_space<vmem>>
        %dma_start3A_152 = arith.constant 0 : i32
        %dma_start3A_153 = arith.constant 0 : i32
        %dma_start3A_154 = tpu.memref_slice %arg15[%dma_start3A_152, %dma_start3A_153] : memref<10240x64xf32, #tpu.memory_space<vmem_shared>> -> memref<10240x64xf32, #tpu.memory_space<vmem_shared>>
        tpu.enqueue_indirect_dma source(%dma_start3A_154 : memref<10240x64xf32, #tpu.memory_space<vmem_shared>>) target(%arg13 : memref<80x64xf32, #tpu.memory_space<vmem>>) offsets(%dma_start3A_151 : memref<80xi32, #tpu.memory_space<vmem>>) semaphore(%arg20 : memref<!tpu.dma_semaphore, #tpu.memory_space<semaphore_mem>>)
      } else {
      }
    }
    %scan3A_45 = arith.constant 25 : i32
    %barrier3A_46 = arith.constant 0 : index
    tpu.barrier barrier_id(%barrier3A_46)
    %mul3A_47 = arith.constant 640 : i32
    %mul3A_48 = arith.muli %arg1, %mul3A_47 : i32
    %mul3A_49 = arith.constant 640 : i32
    %mul3A_50 = arith.muli %arg1, %mul3A_49 : i32
    "tpu.region"() ({
      %run_scoped3A = tpu.sem_alloc : memref<!tpu.dma_semaphore, #tpu.memory_space<semaphore_mem>>
      %dma_start3A_51 = arith.constant 0 : i32
      %dma_start3A_52 = arith.constant 0 : i32
      %dma_start3A_53 = tpu.memref_slice %arg6[%arg0, %dma_start3A_51, %dma_start3A_52] : memref<2x10240x64xf32, #tpu.memory_space<hbm>> -> memref<1x10240x64xf32, #tpu.memory_space<hbm>>
      %dma_start3A_54 = tpu.memref_squeeze %dma_start3A_53 : memref<1x10240x64xf32, #tpu.memory_space<hbm>> -> memref<10240x64xf32, #tpu.memory_space<hbm>>
      %dma_start3A_55 = arith.constant 0 : i32
      %dma_start3A_56 = tpu.memref_slice %dma_start3A_54[%mul3A_50, %dma_start3A_55] : memref<10240x64xf32, #tpu.memory_space<hbm>> -> memref<640x64xf32, #tpu.memory_space<hbm>>
      %dma_start3A_57 = arith.constant 0 : i32
      %dma_start3A_58 = tpu.memref_slice %arg14[%mul3A_48, %dma_start3A_57] : memref<10240x64xf32, #tpu.memory_space<vmem_shared>> -> memref<640x64xf32, #tpu.memory_space<vmem_shared>>
      tpu.enqueue_dma source(%dma_start3A_58 : memref<640x64xf32, #tpu.memory_space<vmem_shared>>) target(%dma_start3A_56 : memref<640x64xf32, #tpu.memory_space<hbm>>) target_semaphore(%run_scoped3A : memref<!tpu.dma_semaphore, #tpu.memory_space<semaphore_mem>>)
      %dma_wait3A = arith.constant 0 : i32
      %dma_wait3A_59 = arith.constant 0 : i32
      %dma_wait3A_60 = tpu.memref_slice %arg6[%arg0, %dma_wait3A, %dma_wait3A_59] : memref<2x10240x64xf32, #tpu.memory_space<hbm>> -> memref<1x10240x64xf32, #tpu.memory_space<hbm>>
      %dma_wait3A_61 = tpu.memref_squeeze %dma_wait3A_60 : memref<1x10240x64xf32, #tpu.memory_space<hbm>> -> memref<10240x64xf32, #tpu.memory_space<hbm>>
      %dma_wait3A_62 = arith.constant 0 : i32
      %dma_wait3A_63 = tpu.memref_slice %dma_wait3A_61[%mul3A_50, %dma_wait3A_62] : memref<10240x64xf32, #tpu.memory_space<hbm>> -> memref<640x64xf32, #tpu.memory_space<hbm>>
      %dma_wait3A_64 = arith.constant 0 : i32
      %dma_wait3A_65 = tpu.memref_slice %arg14[%mul3A_48, %dma_wait3A_64] : memref<10240x64xf32, #tpu.memory_space<vmem_shared>> -> memref<640x64xf32, #tpu.memory_space<vmem_shared>>
      tpu.wait_dma2 semaphore(%run_scoped3A : memref<!tpu.dma_semaphore, #tpu.memory_space<semaphore_mem>>) src(%dma_wait3A_65 : memref<640x64xf32, #tpu.memory_space<vmem_shared>>) dst(%dma_wait3A_63 : memref<640x64xf32, #tpu.memory_space<hbm>>)
      tpu.yield
    }) : () -> ()
    return
  }
}

module attributes {stable_mosaic.version = 14 : i64} {
  func.func @body(%arg0: i32, %arg1: memref<1024x128xf32, #tpu.memory_space<vmem>>, %arg2: memref<128x64xf32, #tpu.memory_space<vmem>>, %arg3: memref<1024x64xf32, #tpu.memory_space<vmem>>) attributes {dimension_semantics = [#tpu.dimension_semantics<arbitrary>], iteration_bounds = array<i64: 10>, scalar_prefetch = 0 : i64, scratch_operands = 0 : i64, tpu.core_type = #tpu.core_type<tc>, window_params = [{transform_indices = @transform_0, window_bounds = array<i64: 1024, 128>}, {pipeline_mode = #tpu.pipeline_mode<synchronous>, transform_indices = @transform_1, window_bounds = array<i64: 128, 64>}, {transform_indices = @transform_2, window_bounds = array<i64: 1024, 64>}]} {
    %get3A = arith.constant 0 : index
    %get3A_0 = arith.constant 0 : index
    %get3A_1 = vector.load %arg1[%get3A, %get3A_0] : memref<1024x128xf32, #tpu.memory_space<vmem>>, vector<1024x128xf32>
    %get3A_2 = arith.constant 0 : index
    %get3A_3 = arith.constant 0 : index
    %get3A_4 = vector.load %arg2[%get3A_2, %get3A_3] : memref<128x64xf32, #tpu.memory_space<vmem>>, vector<128x64xf32>
    %dot_general3A = arith.constant dense<0.000000e+00> : vector<1024x64xf32>
    %dot_general3A_5 = tpu.matmul %get3A_1, %get3A_4, %dot_general3A {dimension_numbers = #tpu.dot_dimension_numbers<[1], [0], [0], [1], [0, 0, 1, 1], [], []>, transpose_lhs_hint = false} : vector<1024x128xf32>, vector<128x64xf32>, vector<1024x64xf32> -> vector<1024x64xf32>
    %swap3A = arith.constant 0 : index
    %swap3A_6 = arith.constant 0 : index
    %swap3A_7 = vector.load %arg3[%swap3A, %swap3A_6] : memref<1024x64xf32, #tpu.memory_space<vmem>>, vector<1024x64xf32>
    tpu.vector_store %arg3[%swap3A, %swap3A_6], %dot_general3A_5 {strides = array<i32>} : memref<1024x64xf32, #tpu.memory_space<vmem>>, vector<1024x64xf32>,
    return
  }
  func.func @transform_0(%arg0: i32) -> (i32, i32) {
    %c0_i32 = arith.constant 0 : i32
    %c0_i32_0 = arith.constant 0 : i32
    return %arg0, %c0_i32 : i32, i32
  }
  func.func @transform_1(%arg0: i32) -> (i32, i32) {
    %c0_i32 = arith.constant 0 : i32
    %c0_i32_0 = arith.constant 0 : i32
    %c0_i32_1 = arith.constant 0 : i32
    return %c0_i32, %c0_i32_0 : i32, i32
  }
  func.func @transform_2(%arg0: i32) -> (i32, i32) {
    %c0_i32 = arith.constant 0 : i32
    %c0_i32_0 = arith.constant 0 : i32
    return %arg0, %c0_i32 : i32, i32
  }
}

module attributes {stable_mosaic.version = 14 : i64} {
  func.func @body(%arg0: i32, %arg1: memref<2x1024x64xf32, #tpu.memory_space<vmem>>, %arg2: memref<1024x64xf32, #tpu.memory_space<vmem>>, %arg3: memref<1x64xf32, #tpu.memory_space<vmem>>, %arg4: memref<64x64xf32, #tpu.memory_space<vmem>>, %arg5: memref<1x64xf32, #tpu.memory_space<vmem>>, %arg6: memref<64x64xf32, #tpu.memory_space<vmem>>, %arg7: memref<1024x64xf32, #tpu.memory_space<vmem>>) attributes {dimension_semantics = [#tpu.dimension_semantics<arbitrary>], iteration_bounds = array<i64: 10>, scalar_prefetch = 0 : i64, scratch_operands = 0 : i64, tpu.core_type = #tpu.core_type<tc>, window_params = [{transform_indices = @transform_0, window_bounds = array<i64: 2, 1024, 64>}, {transform_indices = @transform_1, window_bounds = array<i64: 1024, 64>}, {pipeline_mode = #tpu.pipeline_mode<synchronous>, transform_indices = @transform_2, window_bounds = array<i64: 1, 64>}, {pipeline_mode = #tpu.pipeline_mode<synchronous>, transform_indices = @transform_3, window_bounds = array<i64: 64, 64>}, {pipeline_mode = #tpu.pipeline_mode<synchronous>, transform_indices = @transform_4, window_bounds = array<i64: 1, 64>}, {pipeline_mode = #tpu.pipeline_mode<synchronous>, transform_indices = @transform_5, window_bounds = array<i64: 64, 64>}, {transform_indices = @transform_6, window_bounds = array<i64: 1024, 64>}]} {
    %get3A = arith.constant 0 : index
    %get3A_0 = arith.constant 0 : index
    %get3A_1 = arith.constant 0 : index
    %get3A_2 = vector.load %arg1[%get3A, %get3A_0, %get3A_1] : memref<2x1024x64xf32, #tpu.memory_space<vmem>>, vector<1x1024x64xf32>
    %get3A_3 = vector.shape_cast %get3A_2 : vector<1x1024x64xf32> to vector<1024x64xf32>
    %get3A_4 = arith.constant 1 : index
    %get3A_5 = arith.constant 0 : index
    %get3A_6 = arith.constant 0 : index
    %get3A_7 = vector.load %arg1[%get3A_4, %get3A_5, %get3A_6] : memref<2x1024x64xf32, #tpu.memory_space<vmem>>, vector<1x1024x64xf32>
    %get3A_8 = vector.shape_cast %get3A_7 : vector<1x1024x64xf32> to vector<1024x64xf32>
    %add3A = arith.addf %get3A_3, %get3A_8 : vector<1024x64xf32>
    %get3A_9 = arith.constant 0 : index
    %get3A_10 = arith.constant 0 : index
    %get3A_11 = vector.load %arg2[%get3A_9, %get3A_10] : memref<1024x64xf32, #tpu.memory_space<vmem>>, vector<1024x64xf32>
    %add3A_12 = arith.addf %add3A, %get3A_11 : vector<1024x64xf32>
    %get3A_13 = arith.constant 0 : index
    %get3A_14 = arith.constant 0 : index
    %get3A_15 = vector.load %arg3[%get3A_13, %get3A_14] : memref<1x64xf32, #tpu.memory_space<vmem>>, vector<1x64xf32>
    %add3A_16 = vector.broadcast %get3A_15 : vector<1x64xf32> to vector<1024x64xf32>
    %add3A_17 = arith.addf %add3A_12, %add3A_16 : vector<1024x64xf32>
    %max3A = arith.constant 0.000000e+00 : f32
    %max3A_18 = vector.broadcast %max3A : f32 to vector<1024x64xf32>
    %max3A_19 = arith.maximumf %add3A_17, %max3A_18 : vector<1024x64xf32>
    %get3A_20 = arith.constant 0 : index
    %get3A_21 = arith.constant 0 : index
    %get3A_22 = vector.load %arg4[%get3A_20, %get3A_21] : memref<64x64xf32, #tpu.memory_space<vmem>>, vector<64x64xf32>
    %dot_general3A = arith.constant dense<0.000000e+00> : vector<1024x64xf32>
    %dot_general3A_23 = tpu.matmul %max3A_19, %get3A_22, %dot_general3A {dimension_numbers = #tpu.dot_dimension_numbers<[1], [0], [0], [1], [0, 0, 1, 1], [], []>, transpose_lhs_hint = false} : vector<1024x64xf32>, vector<64x64xf32>, vector<1024x64xf32> -> vector<1024x64xf32>
    %get3A_24 = arith.constant 0 : index
    %get3A_25 = arith.constant 0 : index
    %get3A_26 = vector.load %arg5[%get3A_24, %get3A_25] : memref<1x64xf32, #tpu.memory_space<vmem>>, vector<1x64xf32>
    %add3A_27 = vector.broadcast %get3A_26 : vector<1x64xf32> to vector<1024x64xf32>
    %add3A_28 = arith.addf %dot_general3A_23, %add3A_27 : vector<1024x64xf32>
    %max3A_29 = arith.constant 0.000000e+00 : f32
    %max3A_30 = vector.broadcast %max3A_29 : f32 to vector<1024x64xf32>
    %max3A_31 = arith.maximumf %add3A_28, %max3A_30 : vector<1024x64xf32>
    %get3A_32 = arith.constant 0 : index
    %get3A_33 = arith.constant 0 : index
    %get3A_34 = vector.load %arg6[%get3A_32, %get3A_33] : memref<64x64xf32, #tpu.memory_space<vmem>>, vector<64x64xf32>
    %dot_general3A_35 = arith.constant dense<0.000000e+00> : vector<1024x64xf32>
    %dot_general3A_36 = tpu.matmul %max3A_31, %get3A_34, %dot_general3A_35 {dimension_numbers = #tpu.dot_dimension_numbers<[1], [0], [0], [1], [0, 0, 1, 1], [], []>, transpose_lhs_hint = false} : vector<1024x64xf32>, vector<64x64xf32>, vector<1024x64xf32> -> vector<1024x64xf32>
    %swap3A = arith.constant 0 : index
    %swap3A_37 = arith.constant 0 : index
    %swap3A_38 = vector.load %arg7[%swap3A, %swap3A_37] : memref<1024x64xf32, #tpu.memory_space<vmem>>, vector<1024x64xf32>
    tpu.vector_store %arg7[%swap3A, %swap3A_37], %dot_general3A_36 {strides = array<i32>} : memref<1024x64xf32, #tpu.memory_space<vmem>>, vector<1024x64xf32>,
    return
  }
  func.func @transform_0(%arg0: i32) -> (i32, i32, i32) {
    %c0_i32 = arith.constant 0 : i32
    %c0_i32_0 = arith.constant 0 : i32
    %c0_i32_1 = arith.constant 0 : i32
    return %c0_i32, %arg0, %c0_i32_0 : i32, i32, i32
  }
  func.func @transform_1(%arg0: i32) -> (i32, i32) {
    %c0_i32 = arith.constant 0 : i32
    %c0_i32_0 = arith.constant 0 : i32
    return %arg0, %c0_i32 : i32, i32
  }
  func.func @transform_2(%arg0: i32) -> (i32, i32) {
    %c0_i32 = arith.constant 0 : i32
    %c0_i32_0 = arith.constant 0 : i32
    %c0_i32_1 = arith.constant 0 : i32
    return %c0_i32, %c0_i32_0 : i32, i32
  }
  func.func @transform_3(%arg0: i32) -> (i32, i32) {
    %c0_i32 = arith.constant 0 : i32
    %c0_i32_0 = arith.constant 0 : i32
    %c0_i32_1 = arith.constant 0 : i32
    return %c0_i32, %c0_i32_0 : i32, i32
  }
  func.func @transform_4(%arg0: i32) -> (i32, i32) {
    %c0_i32 = arith.constant 0 : i32
    %c0_i32_0 = arith.constant 0 : i32
    %c0_i32_1 = arith.constant 0 : i32
    return %c0_i32, %c0_i32_0 : i32, i32
  }
  func.func @transform_5(%arg0: i32) -> (i32, i32) {
    %c0_i32 = arith.constant 0 : i32
    %c0_i32_0 = arith.constant 0 : i32
    %c0_i32_1 = arith.constant 0 : i32
    return %c0_i32, %c0_i32_0 : i32, i32
  }
  func.func @transform_6(%arg0: i32) -> (i32, i32) {
    %c0_i32 = arith.constant 0 : i32
    %c0_i32_0 = arith.constant 0 : i32
    return %arg0, %c0_i32 : i32, i32
  }
}

module attributes {stable_mosaic.version = 14 : i64} {
  func.func @body(%arg0: i32, %arg1: memref<2x1024x64xf32, #tpu.memory_space<vmem>>, %arg2: memref<1024x64xf32, #tpu.memory_space<vmem>>, %arg3: memref<1x64xf32, #tpu.memory_space<vmem>>, %arg4: memref<64x64xf32, #tpu.memory_space<vmem>>, %arg5: memref<1x64xf32, #tpu.memory_space<vmem>>, %arg6: memref<1x1x1024xi32, #tpu.memory_space<vmem>>, %arg7: memref<64x64xf32, #tpu.memory_space<vmem>>, %arg8: memref<1x64xf32, #tpu.memory_space<vmem>>, %arg9: memref<64x6xf32, #tpu.memory_space<vmem>>, %arg10: memref<1x6xf32, #tpu.memory_space<vmem>>, %arg11: memref<64x6xf32, #tpu.memory_space<vmem>>, %arg12: memref<64x64xf32, #tpu.memory_space<vmem>>, %arg13: memref<64x64xf32, #tpu.memory_space<vmem>>) attributes {dimension_semantics = [#tpu.dimension_semantics<arbitrary>], iteration_bounds = array<i64: 10>, scalar_prefetch = 0 : i64, scratch_operands = 2 : i64, tpu.core_type = #tpu.core_type<tc>, window_params = [{transform_indices = @transform_0, window_bounds = array<i64: 2, 1024, 64>}, {transform_indices = @transform_1, window_bounds = array<i64: 1024, 64>}, {pipeline_mode = #tpu.pipeline_mode<synchronous>, transform_indices = @transform_2, window_bounds = array<i64: 1, 64>}, {pipeline_mode = #tpu.pipeline_mode<synchronous>, transform_indices = @transform_3, window_bounds = array<i64: 64, 64>}, {pipeline_mode = #tpu.pipeline_mode<synchronous>, transform_indices = @transform_4, window_bounds = array<i64: 1, 64>}, {transform_indices = @transform_5, window_bounds = array<i64: 1, 1, 1024>}, {pipeline_mode = #tpu.pipeline_mode<synchronous>, transform_indices = @transform_6, window_bounds = array<i64: 64, 64>}, {pipeline_mode = #tpu.pipeline_mode<synchronous>, transform_indices = @transform_7, window_bounds = array<i64: 1, 64>}, {pipeline_mode = #tpu.pipeline_mode<synchronous>, transform_indices = @transform_8, window_bounds = array<i64: 64, 6>}, {pipeline_mode = #tpu.pipeline_mode<synchronous>, transform_indices = @transform_9, window_bounds = array<i64: 1, 6>}, {pipeline_mode = #tpu.pipeline_mode<synchronous>, transform_indices = @transform_10, window_bounds = array<i64: 64, 6>}]} {
    %get3A = arith.constant 0 : index
    %get3A_0 = arith.constant 0 : index
    %get3A_1 = arith.constant 0 : index
    %get3A_2 = vector.load %arg1[%get3A, %get3A_0, %get3A_1] : memref<2x1024x64xf32, #tpu.memory_space<vmem>>, vector<1x1024x64xf32>
    %get3A_3 = vector.shape_cast %get3A_2 : vector<1x1024x64xf32> to vector<1024x64xf32>
    %get3A_4 = arith.constant 1 : index
    %get3A_5 = arith.constant 0 : index
    %get3A_6 = arith.constant 0 : index
    %get3A_7 = vector.load %arg1[%get3A_4, %get3A_5, %get3A_6] : memref<2x1024x64xf32, #tpu.memory_space<vmem>>, vector<1x1024x64xf32>
    %get3A_8 = vector.shape_cast %get3A_7 : vector<1x1024x64xf32> to vector<1024x64xf32>
    %add3A = arith.addf %get3A_3, %get3A_8 : vector<1024x64xf32>
    %get3A_9 = arith.constant 0 : index
    %get3A_10 = arith.constant 0 : index
    %get3A_11 = vector.load %arg2[%get3A_9, %get3A_10] : memref<1024x64xf32, #tpu.memory_space<vmem>>, vector<1024x64xf32>
    %add3A_12 = arith.addf %add3A, %get3A_11 : vector<1024x64xf32>
    %get3A_13 = arith.constant 0 : index
    %get3A_14 = arith.constant 0 : index
    %get3A_15 = vector.load %arg3[%get3A_13, %get3A_14] : memref<1x64xf32, #tpu.memory_space<vmem>>, vector<1x64xf32>
    %add3A_16 = vector.broadcast %get3A_15 : vector<1x64xf32> to vector<1024x64xf32>
    %add3A_17 = arith.addf %add3A_12, %add3A_16 : vector<1024x64xf32>
    %max3A = arith.constant 0.000000e+00 : f32
    %max3A_18 = vector.broadcast %max3A : f32 to vector<1024x64xf32>
    %max3A_19 = arith.maximumf %add3A_17, %max3A_18 : vector<1024x64xf32>
    %get3A_20 = arith.constant 0 : index
    %get3A_21 = arith.constant 0 : index
    %get3A_22 = vector.load %arg4[%get3A_20, %get3A_21] : memref<64x64xf32, #tpu.memory_space<vmem>>, vector<64x64xf32>
    %dot_general3A = arith.constant dense<0.000000e+00> : vector<1024x64xf32>
    %dot_general3A_23 = tpu.matmul %max3A_19, %get3A_22, %dot_general3A {dimension_numbers = #tpu.dot_dimension_numbers<[1], [0], [0], [1], [0, 0, 1, 1], [], []>, transpose_lhs_hint = false} : vector<1024x64xf32>, vector<64x64xf32>, vector<1024x64xf32> -> vector<1024x64xf32>
    %get3A_24 = arith.constant 0 : index
    %get3A_25 = arith.constant 0 : index
    %get3A_26 = vector.load %arg5[%get3A_24, %get3A_25] : memref<1x64xf32, #tpu.memory_space<vmem>>, vector<1x64xf32>
    %add3A_27 = vector.broadcast %get3A_26 : vector<1x64xf32> to vector<1024x64xf32>
    %add3A_28 = arith.addf %dot_general3A_23, %add3A_27 : vector<1024x64xf32>
    %max3A_29 = arith.constant 0.000000e+00 : f32
    %max3A_30 = vector.broadcast %max3A_29 : f32 to vector<1024x64xf32>
    %max3A_31 = arith.maximumf %add3A_28, %max3A_30 : vector<1024x64xf32>
    %get3A_32 = arith.constant 0 : index
    %get3A_33 = arith.constant 0 : index
    %get3A_34 = arith.constant 0 : index
    %get3A_35 = vector.load %arg6[%get3A_32, %get3A_33, %get3A_34] : memref<1x1x1024xi32, #tpu.memory_space<vmem>>, vector<1x1x1024xi32>
    %get3A_36 = vector.shape_cast %get3A_35 : vector<1x1x1024xi32> to vector<1x1024xi32>
    %iota3A = tpu.iota {dimensions = array<i32: 0>} : vector<64x1024xi32>
    %broadcast_in_dim3A = vector.shape_cast %get3A_36 : vector<1x1024xi32> to vector<1x1024xi32>
    %broadcast_in_dim3A_37 = vector.broadcast %broadcast_in_dim3A : vector<1x1024xi32> to vector<64x1024xi32>
    %eq3A = arith.cmpi eq, %iota3A, %broadcast_in_dim3A_37 : vector<64x1024xi32>
    %convert_element_type3A = arith.extui %eq3A : vector<64x1024xi1> to vector<64x1024xi32>
    %convert_element_type3A_38 = arith.sitofp %convert_element_type3A : vector<64x1024xi32> to vector<64x1024xf32>
    %dot_general3A_39 = arith.constant dense<0.000000e+00> : vector<64x64xf32>
    %dot_general3A_40 = tpu.matmul %convert_element_type3A_38, %max3A_31, %dot_general3A_39 {dimension_numbers = #tpu.dot_dimension_numbers<[1], [0], [0], [1], [0, 0, 1, 1], [], []>, transpose_lhs_hint = false} : vector<64x1024xf32>, vector<1024x64xf32>, vector<64x64xf32> -> vector<64x64xf32>
    %broadcast_in_dim3A_41 = arith.constant 1.000000e+00 : f32
    %broadcast_in_dim3A_42 = vector.broadcast %broadcast_in_dim3A_41 : f32 to vector<1024x64xf32>
    %dot_general3A_43 = arith.constant dense<0.000000e+00> : vector<64x64xf32>
    %dot_general3A_44 = tpu.matmul %convert_element_type3A_38, %broadcast_in_dim3A_42, %dot_general3A_43 {dimension_numbers = #tpu.dot_dimension_numbers<[1], [0], [0], [1], [0, 0, 1, 1], [], []>, transpose_lhs_hint = false} : vector<64x1024xf32>, vector<1024x64xf32>, vector<64x64xf32> -> vector<64x64xf32>
    %eq3A_45 = arith.constant 0 : i32
    %eq3A_46 = arith.cmpi eq, %arg0, %eq3A_45 : i32
    %convert_element_type3A_47 = arith.extui %eq3A_46 : i1 to i32
    %cond3A = arith.constant 0 : i32
    %cond3A_48 = arith.cmpi ne, %convert_element_type3A_47, %cond3A : i32
    scf.if %cond3A_48 {
      %swap3A = arith.constant 0 : index
      %swap3A_58 = arith.constant 0 : index
      %swap3A_59 = vector.load %arg12[%swap3A, %swap3A_58] : memref<64x64xf32, #tpu.memory_space<vmem>>, vector<64x64xf32>
      tpu.vector_store %arg12[%swap3A, %swap3A_58], %dot_general3A_40 {strides = array<i32>} : memref<64x64xf32, #tpu.memory_space<vmem>>, vector<64x64xf32>,
      %swap3A_60 = arith.constant 0 : index
      %swap3A_61 = arith.constant 0 : index
      %swap3A_62 = vector.load %arg13[%swap3A_60, %swap3A_61] : memref<64x64xf32, #tpu.memory_space<vmem>>, vector<64x64xf32>
      tpu.vector_store %arg13[%swap3A_60, %swap3A_61], %dot_general3A_44 {strides = array<i32>} : memref<64x64xf32, #tpu.memory_space<vmem>>, vector<64x64xf32>,
    } else {
    }
    %gt3A = arith.constant 0 : i32
    %gt3A_49 = arith.cmpi sgt, %arg0, %gt3A : i32
    %convert_element_type3A_50 = arith.extui %gt3A_49 : i1 to i32
    %cond3A_51 = arith.constant 0 : i32
    %cond3A_52 = arith.cmpi ne, %convert_element_type3A_50, %cond3A_51 : i32
    scf.if %cond3A_52 {
      %get3A_58 = arith.constant 0 : index
      %get3A_59 = arith.constant 0 : index
      %get3A_60 = vector.load %arg12[%get3A_58, %get3A_59] : memref<64x64xf32, #tpu.memory_space<vmem>>, vector<64x64xf32>
      %add3A_61 = arith.addf %get3A_60, %dot_general3A_40 : vector<64x64xf32>
      %swap3A = arith.constant 0 : index
      %swap3A_62 = arith.constant 0 : index
      %swap3A_63 = vector.load %arg12[%swap3A, %swap3A_62] : memref<64x64xf32, #tpu.memory_space<vmem>>, vector<64x64xf32>
      tpu.vector_store %arg12[%swap3A, %swap3A_62], %add3A_61 {strides = array<i32>} : memref<64x64xf32, #tpu.memory_space<vmem>>, vector<64x64xf32>,
      %get3A_64 = arith.constant 0 : index
      %get3A_65 = arith.constant 0 : index
      %get3A_66 = vector.load %arg13[%get3A_64, %get3A_65] : memref<64x64xf32, #tpu.memory_space<vmem>>, vector<64x64xf32>
      %add3A_67 = arith.addf %get3A_66, %dot_general3A_44 : vector<64x64xf32>
      %swap3A_68 = arith.constant 0 : index
      %swap3A_69 = arith.constant 0 : index
      %swap3A_70 = vector.load %arg13[%swap3A_68, %swap3A_69] : memref<64x64xf32, #tpu.memory_space<vmem>>, vector<64x64xf32>
      tpu.vector_store %arg13[%swap3A_68, %swap3A_69], %add3A_67 {strides = array<i32>} : memref<64x64xf32, #tpu.memory_space<vmem>>, vector<64x64xf32>,
    } else {
    }
    %eq3A_53 = arith.constant 9 : i32
    %eq3A_54 = arith.cmpi eq, %arg0, %eq3A_53 : i32
    %convert_element_type3A_55 = arith.extui %eq3A_54 : i1 to i32
    %cond3A_56 = arith.constant 0 : i32
    %cond3A_57 = arith.cmpi ne, %convert_element_type3A_55, %cond3A_56 : i32
    scf.if %cond3A_57 {
      %get3A_58 = arith.constant 0 : index
      %get3A_59 = arith.constant 0 : index
      %get3A_60 = vector.load %arg12[%get3A_58, %get3A_59] : memref<64x64xf32, #tpu.memory_space<vmem>>, vector<64x64xf32>
      %get3A_61 = arith.constant 0 : index
      %get3A_62 = arith.constant 0 : index
      %get3A_63 = vector.load %arg13[%get3A_61, %get3A_62] : memref<64x64xf32, #tpu.memory_space<vmem>>, vector<64x64xf32>
      %max3A_64 = arith.constant 1.000000e+00 : f32
      %max3A_65 = vector.broadcast %max3A_64 : f32 to vector<64x64xf32>
      %max3A_66 = arith.maximumf %get3A_63, %max3A_65 : vector<64x64xf32>
      %div3A = arith.divf %get3A_60, %max3A_66 : vector<64x64xf32>
      %get3A_67 = arith.constant 0 : index
      %get3A_68 = arith.constant 0 : index
      %get3A_69 = vector.load %arg7[%get3A_67, %get3A_68] : memref<64x64xf32, #tpu.memory_space<vmem>>, vector<64x64xf32>
      %dot_general3A_70 = arith.constant dense<0.000000e+00> : vector<64x64xf32>
      %dot_general3A_71 = tpu.matmul %div3A, %get3A_69, %dot_general3A_70 {dimension_numbers = #tpu.dot_dimension_numbers<[1], [0], [0], [1], [0, 0, 1, 1], [], []>, transpose_lhs_hint = false} : vector<64x64xf32>, vector<64x64xf32>, vector<64x64xf32> -> vector<64x64xf32>
      %get3A_72 = arith.constant 0 : index
      %get3A_73 = arith.constant 0 : index
      %get3A_74 = vector.load %arg8[%get3A_72, %get3A_73] : memref<1x64xf32, #tpu.memory_space<vmem>>, vector<1x64xf32>
      %add3A_75 = vector.broadcast %get3A_74 : vector<1x64xf32> to vector<64x64xf32>
      %add3A_76 = arith.addf %dot_general3A_71, %add3A_75 : vector<64x64xf32>
      %max3A_77 = arith.constant 0.000000e+00 : f32
      %max3A_78 = vector.broadcast %max3A_77 : f32 to vector<64x64xf32>
      %max3A_79 = arith.maximumf %add3A_76, %max3A_78 : vector<64x64xf32>
      %get3A_80 = arith.constant 0 : index
      %get3A_81 = arith.constant 0 : index
      %get3A_82 = vector.load %arg9[%get3A_80, %get3A_81] : memref<64x6xf32, #tpu.memory_space<vmem>>, vector<64x6xf32>
      %dot_general3A_83 = arith.constant dense<0.000000e+00> : vector<64x6xf32>
      %dot_general3A_84 = tpu.matmul %max3A_79, %get3A_82, %dot_general3A_83 {dimension_numbers = #tpu.dot_dimension_numbers<[1], [0], [0], [1], [0, 0, 1, 1], [], []>, transpose_lhs_hint = false} : vector<64x64xf32>, vector<64x6xf32>, vector<64x6xf32> -> vector<64x6xf32>
      %get3A_85 = arith.constant 0 : index
      %get3A_86 = arith.constant 0 : index
      %get3A_87 = vector.load %arg10[%get3A_85, %get3A_86] : memref<1x6xf32, #tpu.memory_space<vmem>>, vector<1x6xf32>
      %add3A_88 = vector.broadcast %get3A_87 : vector<1x6xf32> to vector<64x6xf32>
      %add3A_89 = arith.addf %dot_general3A_84, %add3A_88 : vector<64x6xf32>
      %neg3A = arith.constant 0.000000e+00 : f32
      %neg3A_90 = vector.broadcast %neg3A : f32 to vector<64x6xf32>
      %neg3A_91 = arith.subf %neg3A_90, %add3A_89 : vector<64x6xf32>
      %exp3A = math.exp %neg3A_91 : vector<64x6xf32>
      %add3A_92 = arith.constant 1.000000e+00 : f32
      %add3A_93 = vector.broadcast %add3A_92 : f32 to vector<64x6xf32>
      %add3A_94 = arith.addf %add3A_93, %exp3A : vector<64x6xf32>
      %div3A_95 = arith.constant 1.000000e+00 : f32
      %div3A_96 = vector.broadcast %div3A_95 : f32 to vector<64x6xf32>
      %div3A_97 = arith.divf %div3A_96, %add3A_94 : vector<64x6xf32>
      %swap3A = arith.constant 0 : index
      %swap3A_98 = arith.constant 0 : index
      %swap3A_99 = vector.load %arg11[%swap3A, %swap3A_98] : memref<64x6xf32, #tpu.memory_space<vmem>>, vector<64x6xf32>
      tpu.vector_store %arg11[%swap3A, %swap3A_98], %div3A_97 {strides = array<i32>} : memref<64x6xf32, #tpu.memory_space<vmem>>, vector<64x6xf32>,
    } else {
    }
    return
  }
  func.func @transform_0(%arg0: i32) -> (i32, i32, i32) {
    %c0_i32 = arith.constant 0 : i32
    %c0_i32_0 = arith.constant 0 : i32
    %c0_i32_1 = arith.constant 0 : i32
    return %c0_i32, %arg0, %c0_i32_0 : i32, i32, i32
  }
  func.func @transform_1(%arg0: i32) -> (i32, i32) {
    %c0_i32 = arith.constant 0 : i32
    %c0_i32_0 = arith.constant 0 : i32
    return %arg0, %c0_i32 : i32, i32
  }
  func.func @transform_2(%arg0: i32) -> (i32, i32) {
    %c0_i32 = arith.constant 0 : i32
    %c0_i32_0 = arith.constant 0 : i32
    %c0_i32_1 = arith.constant 0 : i32
    return %c0_i32, %c0_i32_0 : i32, i32
  }
  func.func @transform_3(%arg0: i32) -> (i32, i32) {
    %c0_i32 = arith.constant 0 : i32
    %c0_i32_0 = arith.constant 0 : i32
    %c0_i32_1 = arith.constant 0 : i32
    return %c0_i32, %c0_i32_0 : i32, i32
  }
  func.func @transform_4(%arg0: i32) -> (i32, i32) {
    %c0_i32 = arith.constant 0 : i32
    %c0_i32_0 = arith.constant 0 : i32
    %c0_i32_1 = arith.constant 0 : i32
    return %c0_i32, %c0_i32_0 : i32, i32
  }
  func.func @transform_5(%arg0: i32) -> (i32, i32, i32) {
    %c0_i32 = arith.constant 0 : i32
    %c0_i32_0 = arith.constant 0 : i32
    %c0_i32_1 = arith.constant 0 : i32
    return %arg0, %c0_i32, %c0_i32_0 : i32, i32, i32
  }
  func.func @transform_6(%arg0: i32) -> (i32, i32) {
    %c0_i32 = arith.constant 0 : i32
    %c0_i32_0 = arith.constant 0 : i32
    %c0_i32_1 = arith.constant 0 : i32
    return %c0_i32, %c0_i32_0 : i32, i32
  }
  func.func @transform_7(%arg0: i32) -> (i32, i32) {
    %c0_i32 = arith.constant 0 : i32
    %c0_i32_0 = arith.constant 0 : i32
    %c0_i32_1 = arith.constant 0 : i32
    return %c0_i32, %c0_i32_0 : i32, i32
  }
  func.func @transform_8(%arg0: i32) -> (i32, i32) {
    %c0_i32 = arith.constant 0 : i32
    %c0_i32_0 = arith.constant 0 : i32
    %c0_i32_1 = arith.constant 0 : i32
    return %c0_i32, %c0_i32_0 : i32, i32
  }
  func.func @transform_9(%arg0: i32) -> (i32, i32) {
    %c0_i32 = arith.constant 0 : i32
    %c0_i32_0 = arith.constant 0 : i32
    %c0_i32_1 = arith.constant 0 : i32
    return %c0_i32, %c0_i32_0 : i32, i32
  }
  func.func @transform_10(%arg0: i32) -> (i32, i32) {
    %c0_i32 = arith.constant 0 : i32
    %c0_i32_0 = arith.constant 0 : i32
    %c0_i32_1 = arith.constant 0 : i32
    return %c0_i32, %c0_i32_0 : i32, i32
  }
}

</mosaic_0001>

<sc_bundles>
// kernel: kernel.10.cloned.1.call-start
scs
__scs_entry_jumppad:
0x0: {  	(pc) =	sbr.rel $0x88, $3  }
0x1: {  	(tag) =	ssettag $0x0;
	lr =	simm.s32 $0x1  }
0x2: {  	[smem:$0x3F92] =	sst lr;
	_ =	strace $0xD0000000  }
0x3: {  	_ = 	snop  }
0x4: {  	_ = 	snop  }
0x5: {  	_ = 	snop  }
0x6: {  	_ = 	snop  }
0x7: {  	_ = 	snop  }
__scs_overlays_trampoline_lowered:
0x8: {  	[smem:$0x3FA1] =	sst s0  }
0x9: {  	[smem:$0x3FA2] =	sst s1  }
0xa: {  	[smem:$0x3FA3] =	sst s2  }
0xb: {  	[smem:$0x3FA4] =	sst s3  }
0xc: {  	[smem:$0x3FA5] =	sst s4  }
0xd: {  	[smem:$0x3FA6] =	sst s5  }
0xe: {  	[smem:$0x3FA7] =	sst s6  }
0xf: {  	[smem:$0x3FA8] =	sst s7  }
0x10: {  	[smem:$0x3FA9] =	sst s8  }
0x11: {  	[smem:$0x3FAA] =	sst s9;
	s0 =	simm.s32 @!p0 $0x0  }
0x12: {  	s1 =	sld [smem:$0x3F90];
	s0 =	simm.s32 @p0 $0x1  }
0x13: {  	[smem:$0x3FAB] =	sst s0;
	s0 =	simm.s32 @!p1 $0x0  }
0x14: {  	s2 =	sld [smem:$0x3F8F];
	s0 =	simm.s32 @p1 $0x1  }
0x15: {  	[smem:$0x3FAC] =	sst s0;
	s0 =	simm.s32 @!p2 $0x0  }
0x16: {  	s3 =	sld [smem:$0x3FDB];
	s0 =	simm.s32 @p2 $0x1  }
0x17: {  	s4 =	simm.s32 $0x1BF5;
	[smem:$0x3FAE] =	sst s0  }
0x18: {  	s0 =	sld [smem:$0x3F91];
	_ =	swait.ge [sflag:s4], $0x0  }
0x19: {  	s7 =	sld [smem:$0x3F92]  }
0x1a: {  	s8 =	sadd.s32 $0xFFFFE003, lr  }
0x1b: {  	s9 =	sadd.s32 $0xFFFFFEF7, lr;
	s5 =	simm.s32 $0xFFFFFFFF;
	p2 =	slt.u32 s8, $0xFFFFF086  }
0x1c: {  	p1 =	slt.u32 s9, $0xF7A;
	s5 =	simm.s32 @!p2 $0x0  }
0x1d: {  	s5 =	simm.s32 @p1 $0x1;
	p0 =	seq.s32 s7, s2  }
0x1e: {  	s7 =	smul.u32 @!p0 $0xF7A, s2;
	p2 =	seq.s32 @!p0 s5, $0x0  }
0x1f: {  	s9 =	smul.u32 $0xF7A, s1;
	s8 =	simm.s32 @!p0 $0x1BF5;
	p2 =	por !p2, p0  }
0x20: {  	[sflag:s8] =	ssyncset.s32 @!p0 $0xFFFFF086;
	s6 =	sadd.s32 @!p0 s3, s7;
	s7 =	simm.s32 @!p0 $0x108  }
0x21: {  	s3 =	sadd.s32 s3, s9;
	s6 =	sadd.s32 @!p0 $0x88, s6;
	s7 =	simm.s32 @p2 $0x1082  }
0x22: {  	[simem:s7], [sflag:s8] =	dma.local @!p0 [hbm:s6], $0xF7A  }
0x23: {  	s9 =	sor.u32 $0xD0000000, s2;
	s6 =	simm.s32 $0x108;
	_ =	swait.ge @!p0 [sflag:s8], $0x0  }
0x24: {  	s3 =	sadd.s32 $0x88, s3;
	s6 =	simm.s32 @!p1 $0x1082;
	[sflag:s4] =	ssyncset.s32 $0xFFFFF086  }
0x25: {  	[simem:s6], [sflag:s4] =	dma.local [hbm:s3], $0xF7A  }
0x26: {  	[smem:$0x3F92] =	sst s1;
	(tag) =	ssettag s2;
	_ =	strace s9  }
0x27: {  	s1 =	sld [smem:$0x3FA2]  }
0x28: {  	s2 =	sld [smem:$0x3FA3]  }
0x29: {  	s4 =	sld [smem:$0x3FA5]  }
0x2a: {  	p0 =	seq.s32 s5, $0x0;
	s5 =	sld [smem:$0x3FA6]  }
0x2b: {  	s6 =	sld [smem:$0x3FA7]  }
0x2c: {  	s7 =	sld [smem:$0x3FA8]  }
0x2d: {  	s3 =	simm.s32 $0x108;
	s8 =	sld [smem:$0x3FA9]  }
0x2e: {  	s3 =	simm.s32 @!p0 $0x1082;
	s9 =	sld [smem:$0x3FAA]  }
0x2f: {  	lr =	sadd.s32 s0, s3;
	s0 =	sld [smem:$0x3FA1]  }
0x30: {  	s3 =	sld [smem:$0x3FA4]  }
0x31: {  	[smem:$0x3FAD] =	sst s10  }
0x32: {  	s10 =	sld [smem:$0x3FAB];
	_ =	sdelay $0x3  }
0x33: {  	p0 =	seq.s32 s10, $0x1;
	s10 =	sld [smem:$0x3FAD];
	_ =	sdelay $0x3  }
0x34: {  	[smem:$0x3FAD] =	sst s10  }
0x35: {  	s10 =	sld [smem:$0x3FAC];
	_ =	sdelay $0x3  }
0x36: {  	p1 =	seq.s32 s10, $0x1;
	s10 =	sld [smem:$0x3FAD];
	_ =	sdelay $0x3  }
0x37: {  	[smem:$0x3FAD] =	sst s10  }
0x38: {  	s10 =	sld [smem:$0x3FAE]  }
0x39: {  	_ = 	snop;
	(pc) =	sbr.ind lr, $3  }
0x3a: {  	_ = 	snop  }
0x3b: {  	_ = 	snop  }
0x3c: {  	p2 =	seq.s32 s10, $0x1;
	s10 =	sld [smem:$0x3FAD]  }
0x3d: {  	_ =	shalt  }
0x3e: {  	_ =	shalt  }
0x3f: {  	_ =	shalt  }
0x40: {  	_ =	shalt  }
0x41: {  	_ =	shalt  }
0x42: {  	_ =	shalt  }
0x43: {  	_ =	shalt  }
0x44: {  	_ =	shalt  }
0x45: {  	_ =	shalt  }
0x46: {  	_ =	shalt  }
0x47: {  	_ =	shalt  }
0x48: {  	_ =	shalt  }
0x49: {  	_ =	shalt  }
0x4a: {  	_ =	shalt  }
0x4b: {  	_ =	shalt  }
0x4c: {  	_ =	shalt  }
0x4d: {  	_ =	shalt  }
0x4e: {  	_ =	shalt  }
0x4f: {  	_ =	shalt  }
0x50: {  	_ =	shalt  }
0x51: {  	_ =	shalt  }
0x52: {  	_ =	shalt  }
0x53: {  	_ =	shalt  }
0x54: {  	_ =	shalt  }
0x55: {  	_ =	shalt  }
0x56: {  	_ =	shalt  }
0x57: {  	_ =	shalt  }
0x58: {  	_ =	shalt  }
0x59: {  	_ =	shalt  }
0x5a: {  	_ =	shalt  }
0x5b: {  	_ =	shalt  }
0x5c: {  	_ =	shalt  }
0x5d: {  	_ =	shalt  }
0x5e: {  	_ =	shalt  }
0x5f: {  	_ =	shalt  }
0x60: {  	_ =	shalt  }
0x61: {  	_ =	shalt  }
0x62: {  	_ =	shalt  }
0x63: {  	_ =	shalt  }
0x64: {  	_ =	shalt  }
0x65: {  	_ =	shalt  }
0x66: {  	_ =	shalt  }
0x67: {  	_ =	shalt  }
0x68: {  	_ =	shalt  }
0x69: {  	_ =	shalt  }
0x6a: {  	_ =	shalt  }
0x6b: {  	_ =	shalt  }
0x6c: {  	_ =	shalt  }
0x6d: {  	_ =	shalt  }
0x6e: {  	_ =	shalt  }
0x6f: {  	_ =	shalt  }
0x70: {  	_ =	shalt  }
0x71: {  	_ =	shalt  }
0x72: {  	_ =	shalt  }
0x73: {  	_ =	shalt  }
0x74: {  	_ =	shalt  }
0x75: {  	_ =	shalt  }
0x76: {  	_ =	shalt  }
0x77: {  	_ =	shalt  }
0x78: {  	_ =	shalt  }
0x79: {  	_ =	shalt  }
0x7a: {  	_ =	shalt  }
0x7b: {  	_ =	shalt  }
0x7c: {  	_ =	shalt  }
0x7d: {  	_ =	shalt  }
0x7e: {  	_ =	shalt  }
0x7f: {  	_ =	shalt  }
0x80: {  	_ =	shalt  }
0x81: {  	_ =	shalt  }
0x82: {  	_ =	shalt  }
0x83: {  	_ =	shalt  }
0x84: {  	_ =	shalt  }
0x85: {  	_ =	shalt  }
0x86: {  	_ =	shalt  }
0x87: {  	_ =	shalt  }
.Lfunc_end0:
.L_simem_size_0:
called_computation.1_lowered:
.L_overlay_start_0:
0x88: {  	s2 =	sld [smem:$0x3FD9]  }
0x89: {  	s3 =	sld [smem:$0x3FFE];
	_ =	sdelay $0x1  }
0x8a: {  	s1 =	srdreg.scid  }
0x8b: {  	s0 =	sand.u32 $0x1, s1  }
0x8c: {  	s16 =	sshll.u32 s0, $0xA;
	s2 =	sadd.s32 s3, s2  }
0x8d: {  	s2 =	sadd.s32 s2, s16  }
0x8e: {  	[smem:$0x3FB9] =	sst s2  }
0x8f: {  	_ = 	snop  }
0x90: {  	(tm) =	ssettm $0x1  }
0x91: {  	s17 =	sld [smem:$0x3FFB];
	_ =	sdelay $0x3  }
0x92: {  	_ =	strace s17  }
0x93: {  	s2 =	sld [smem:$0x3FFC];
	_ =	sdelay $0x3  }
0x94: {  	_ =	strace s2  }
0x95: {  	s2 =	sld [smem:$0x3FFD];
	_ =	sdelay $0x3  }
0x96: {  	_ =	strace s2  }
0x97: {  	_ =	strace $0x8FFFFFFF  }
0x98: {  	s18 =	sld [smem:$0x3FDB];
	_ =	sdelay $0x1  }
0x99: {  	s19 =	simm.s32 $_scs_section_size  }
0x9a: {  	s4 =	simm.s32 $_size__tile_overlayer_lowered;
	s5 =	simm.s32 $_tile_overlayer_lowered  }
0x9b: {  	s22 =	simm.s32 $0x1BFF;
	s21 =	sshll.u32 s5, $0x1;
	s2 =	sadd.s32 s19, s18  }
0x9c: {  	s6 =	simm.s32 $0x0;
	s20 =	sshll.u32 s4, $0x1;
	s4 =	sadd.s32 s21, s2  }
0x9d: {  	[timem:s6], [sflag:s22] =	dma.local [hbm:s4], s20  }
0x9e: {  	_ =	swait.ge [sflag:s22], s20  }
0x9f: {  	s3 =	ssub.s32 $0x0, s20;
	[sflag:s22] =	ssyncset.done $0x0  }
0xa0: {  	[sflag:s22] =	ssyncadd.s32 s3;
	_ =	sdelay $0x1  }
0xa1: {  	s23 =	simm.s32 $0x1B8B  }
0xa2: {  	_ =	swait.ge [sflag:s23], $0x1  }
0xa3: {  	[sflag:s23] =	ssyncset.done $0x0  }
0xa4: {  	s25 =	simm.s32 $0x1B8E;
	s24 =	sld [smem:$0x3FFE];
	[sflag:s23] =	ssyncadd.s32 $0xFFFFFFFF  }
0xa5: {  	s26 =	simm.s32 $execute0_lowered;
	[smem:$0x3FD2] =	sst s25  }
0xa6: {  	s4 =	sshll.u32 s26, $0x1;
	_ =	strace $0x80000049;
	[dreg:$0x1] =	wrdreg $0xFFFFFFFF  }
0xa7: {  	s28 =	simm.s32 $_size_execute0_lowered;
	s2 =	sadd.s32 s2, s4;
	[dreg:$0x0] =	wrdreg $0x0  }
0xa8: {  	s4 =	sshll.u32 s28, $0x1;
	[dreg:$0x2] =	wrdreg s2  }
0xa9: {  	[dreg:$0x3] =	wrdreg s4  }
0xaa: {  	[dreg:$0x4] =	wrdreg $0xC0  }
0xab: {  	_ =	task [dreg:s6], $0x5FFFF  }
0xac: {  	[dreg:$0x1] =	wrdreg $0xFFFFFFFF  }
0xad: {  	[dreg:$0x0] =	wrdreg $0x60  }
0xae: {  	[dreg:$0x2] =	wrdreg s24  }
0xaf: {  	[dreg:$0x3] =	wrdreg $0x152200  }
0xb0: {  	[dreg:$0x4] =	wrdreg $0xB2200  }
0xb1: {  	[dreg:$0x5] =	wrdreg $0x9  }
0xb2: {  	_ =	task.clear_ibuf [dreg:s6], $0x6FFFF;
	_ =	strace $0x90000049  }
0xb3: {  	s29 =	simm.s32 $0x9;
	_ =	strace $0x8000004B  }
0xb4: {  	_ =	swait.ge [sflag:s29], $0x1  }
0xb5: {  	[sflag:s29] =	ssyncadd.s32 $0xFFFFFFFF  }
0xb6: {  	_ =	strace $0x9000004B  }
0xb7: {  	_ =	sfence  }
0xb8: {  	s30 =	sld [smem:$0x0];
	_ =	sdelay $0x2  }
0xb9: {  	s31 =	sshll.u32 s1, $0xD;
	s1 =	sshrl.u32 s1, $0x2  }
0xba: {  	s3 =	sand.u32 $0x4000, s31;
	s1 =	sadd.s32 s1, s30  }
0xbb: {  	s0 =	sor.u32 s3, s0;
	s1 =	sshll.u32 s1, $0x11  }
0xbc: {  	s0 =	sor.u32 s1, s0  }
0xbd: {  	s0 =	sadd.s32 $0x8F2B, s0  }
0xbe: {  	[sflag:s0] =	ssyncadd.remote.s32 $0x1  }
0xbf: {  	_ =	sfence.sel $0xFFFF  }
0xc0: {  	[dreg:$0x0] =	wrdreg $0xFFFFFFFF;
	(pc) =	sbr.abs _section_cstart, $3  }
0xc1: {  	[dreg:$0x1] =	wrdreg $0xFFFFFFFF  }
0xc2: {  	_ =	task.clear_ibuf [dreg:s6], $0x2FFFF;
	_ =	strace $0x9FFFFFFF  }
0xc3: {  	(tm) =	ssettm $0x7FFFFFFF  }
tec
execute0_lowered:
.L_overlay_start_1:
0x0: {  	(tag) =	ssettag $0x1  }
0x1: {  	s0 =	rddreg [dreg:$0x0]  }
0x2: {  	s2 =	rddreg [dreg:$0x1]  }
0x3: {  	s3 =	rddreg [dreg:$0x2]  }
0x4: {  	s1 =	srdreg.scid;
	s12 =	stileid.u32  }
0x5: {  	s4 =	simm.s32 $0x0;
	s15 =	simm.s32 $0x50;
	s16 =	simm.s32 $0x4E20  }
0x6: {  	s17 =	simm.s32 $0x6220;
	s19 =	simm.s32 $0x7620;
	s21 =	simm.s32 $0x8A20  }
0x7: {  	s23 =	simm.s32 $0x9E20;
	s25 =	simm.s32 $0x1;
	s26 =	simm.s32 $0x2  }
0x8: {  	s28 =	simm.s32 $0x3;
	s29 =	simm.s32 $0x4;
	s30 =	simm.s32 $0x5  }
0x9: {  	s18 =	simm.s32 $0x4DD0;
	s20 =	simm.s32 $0x0;
	s1 =	sand.u32 $0x1, s1  }
0xa: {  	s9 =	smul.u32 $0xA000, s12;
	[smem:$0x7FF] =	sst s4;
	s31 =	sshll.u32 s12, $0x6  }
0xb: {  	s5 =	sshll.u32 s1, $0x4;
	_ =	strace $0x8000004A;
	s6 =	smul.u32 $0x14000, s1  }
0xc: {  	s1 =	ssub.s32 $0x2, s1;
	s5 =	sor.u32 s12, s5;
	s11 =	sshrl.u32 s9, $0x3  }
0xd: {  	s10 =	sshrl.u32 s1, $0x1;
	s13 =	sadd.s32 s9, s2;
	s14 =	sadd.s32 s9, s3  }
0xe: {  	s12 =	sor.u32 $0x1C06, s31;
	s5 =	smul.u32 $0x4E2, s5;
	s8 =	sadd.s32 s11, s0  }
0xf: {  	s1 =	ssub.s32 s1, s10;
	s10 =	simm.s32 $0x6;
	s13 =	sshrl.u32 s13, $0x3  }
0x10: {  	s14 =	sshrl.u32 s14, $0x3;
	s8 =	sadd.s32 $0x15800, s8;
	s9 =	smax.u32 s1, $0x1  }
0x11: {  	s7 =	sadd.s32 s5, s0;
	s5 =	sadd.s32 $0x29800, s0;
	s0 =	sadd.s32 s6, s0  }
0x12: {  	s1 =	simm.s32 $0x4D30;
	s6 =	sadd.s32 $0xBA00, s7;
	s0 =	sadd.s32 $0x2AC00, s0  }
0x13: {  	s7 =	sadd.s32 $0x1C00, s7;
	s24 =	sadd.s32 s11, s0;
	s11 =	simm.s32 $0x4D80  }
.LBB2_1:
0x14: {  	[tilespmem:s4], [sflag:$0x6] =	stream.linear.gather [hbm4b:s6+s4], $0x2710, $0x38;
	[tilespmem:$0x1F220] =	vst v63  }
0x15: {  	_ =	swait.ge [sflag:s10], $0x2710  }
0x16: {  	[sflag:s10] =	ssyncset.done $0x0  }
0x17: {  	s0 =	simm.s32 $0x2710;
	[sflag:s10] =	ssyncadd.s32 $0xFFFFD8F0  }
0x18: {  	[tilespmem:s0], [sflag:$0x6] =	stream.linear.gather [hbm4b:s7+s4], $0x2710, $0x38;
	[tilespmem:$0x1F220] =	vst v63  }
0x19: {  	_ =	swait.ge [sflag:s10], $0x2710  }
0x1a: {  	[sflag:s10] =	ssyncset.done $0x0  }
0x1b: {  	[sflag:s10] =	ssyncadd.s32 $0xFFFFD8F0  }
0x1c: {  	[spmem:s13], [sflag:s12] =	dma.local [hbm:s8], $0x1400  }
0x1d: {  	_ =	swait.ge [sflag:s10], $0x1400  }
0x1e: {  	[sflag:s10] =	ssyncset.done $0x0  }
0x1f: {  	[sflag:s10] =	ssyncadd.s32 $0xFFFFEC00  }
0x20: {  	[spmem:s14], [sflag:s12] =	dma.local [hbm:s5], $0x1400  }
0x21: {  	_ =	swait.ge [sflag:s10], $0x1400  }
0x22: {  	[sflag:s10] =	ssyncset.done $0x0  }
0x23: {  	[sflag:s10] =	ssyncadd.s32 $0xFFFFEC00  }
0x24: {  	[bflag:$0x0] =	sbarrier.arrive $0xFFFF  }
0x25: {  	[tilespmem:s16], [sflag:$0x1] =	stream.indirect.gather [spmem:s2], $0x40, s4, s15, $0xb8;
	[tilespmem:$0x1F220] =	vst v63  }
0x26: {  	_ = 	snop  }
0x27: {  	[tilespmem:s17], [sflag:$0x2] =	stream.indirect.gather [spmem:s2], $0x40, s15, s15, $0xb8;
	[tilespmem:$0x1F220] =	vst v63  }
0x28: {  	s22 =	simm.s32 $0xA0  }
0x29: {  	[tilespmem:s19], [sflag:$0x3] =	stream.indirect.gather [spmem:s2], $0x40, s22, s15, $0xb8;
	[tilespmem:$0x1F220] =	vst v63  }
0x2a: {  	s22 =	simm.s32 $0xF0  }
0x2b: {  	[tilespmem:s21], [sflag:$0x4] =	stream.indirect.gather [spmem:s2], $0x40, s22, s15, $0xb8;
	[tilespmem:$0x1F220] =	vst v63  }
0x2c: {  	s22 =	simm.s32 $0x140  }
0x2d: {  	[tilespmem:s23], [sflag:$0x5] =	stream.indirect.gather [spmem:s2], $0x40, s22, s15, $0xb8;
	[tilespmem:$0x1F220] =	vst v63  }
0x2e: {  	_ =	swait.ge [sflag:s25], $0x1400  }
0x2f: {  	[sflag:s25] =	ssyncset.done $0x0  }
0x30: {  	s22 =	simm.s32 $0x2710;
	[sflag:s25] =	ssyncadd.s32 $0xFFFFEC00  }
0x31: {  	[spmem:s3] =	stream.indirect.scatter.add.f32 [tilespmem:s16], [sflag:$0x6], $0x40, s22, s15, $0xb8;
	[tilespmem:$0x1F220] =	vst v63  }
0x32: {  	_ =	swait.ge [sflag:s10], $0x1400  }
0x33: {  	[sflag:s10] =	ssyncset.done $0x0  }
0x34: {  	s0 =	simm.s32 $0x190;
	[sflag:s10] =	ssyncadd.s32 $0xFFFFEC00  }
0x35: {  	[tilespmem:s16], [sflag:$0x1] =	stream.indirect.gather [spmem:s2], $0x40, s0, s15, $0xb8;
	[tilespmem:$0x1F220] =	vst v63  }
0x36: {  	_ =	swait.ge [sflag:s26], $0x1400  }
0x37: {  	[sflag:s26] =	ssyncset.done $0x0  }
0x38: {  	s0 =	simm.s32 $0x2760;
	[sflag:s26] =	ssyncadd.s32 $0xFFFFEC00  }
0x39: {  	[spmem:s3] =	stream.indirect.scatter.add.f32 [tilespmem:s17], [sflag:$0x6], $0x40, s0, s15, $0xb8;
	[tilespmem:$0x1F220] =	vst v63  }
0x3a: {  	_ =	swait.ge [sflag:s10], $0x1400  }
0x3b: {  	[sflag:s10] =	ssyncset.done $0x0  }
0x3c: {  	s0 =	simm.s32 $0x1E0;
	[sflag:s10] =	ssyncadd.s32 $0xFFFFEC00  }
0x3d: {  	[tilespmem:s17], [sflag:$0x2] =	stream.indirect.gather [spmem:s2], $0x40, s0, s15, $0xb8;
	[tilespmem:$0x1F220] =	vst v63  }
0x3e: {  	_ =	swait.ge [sflag:s28], $0x1400  }
0x3f: {  	[sflag:s28] =	ssyncset.done $0x0  }
0x40: {  	s0 =	simm.s32 $0x27B0;
	[sflag:s28] =	ssyncadd.s32 $0xFFFFEC00  }
0x41: {  	[spmem:s3] =	stream.indirect.scatter.add.f32 [tilespmem:s19], [sflag:$0x6], $0x40, s0, s15, $0xb8;
	[tilespmem:$0x1F220] =	vst v63  }
0x42: {  	_ =	swait.ge [sflag:s10], $0x1400  }
0x43: {  	[sflag:s10] =	ssyncset.done $0x0  }
0x44: {  	s0 =	simm.s32 $0x230;
	[sflag:s10] =	ssyncadd.s32 $0xFFFFEC00  }
0x45: {  	[tilespmem:s19], [sflag:$0x3] =	stream.indirect.gather [spmem:s2], $0x40, s0, s15, $0xb8;
	[tilespmem:$0x1F220] =	vst v63  }
0x46: {  	_ =	swait.ge [sflag:s29], $0x1400  }
0x47: {  	[sflag:s29] =	ssyncset.done $0x0  }
0x48: {  	s0 =	simm.s32 $0x2800;
	[sflag:s29] =	ssyncadd.s32 $0xFFFFEC00  }
0x49: {  	[spmem:s3] =	stream.indirect.scatter.add.f32 [tilespmem:s21], [sflag:$0x6], $0x40, s0, s15, $0xb8;
	[tilespmem:$0x1F220] =	vst v63  }
0x4a: {  	_ =	swait.ge [sflag:s10], $0x1400  }
0x4b: {  	[sflag:s10] =	ssyncset.done $0x0  }
0x4c: {  	s0 =	simm.s32 $0x280;
	[sflag:s10] =	ssyncadd.s32 $0xFFFFEC00  }
0x4d: {  	[tilespmem:s21], [sflag:$0x4] =	stream.indirect.gather [spmem:s2], $0x40, s0, s15, $0xb8;
	[tilespmem:$0x1F220] =	vst v63  }
0x4e: {  	_ =	swait.ge [sflag:s30], $0x1400  }
0x4f: {  	[sflag:s30] =	ssyncset.done $0x0  }
0x50: {  	s0 =	simm.s32 $0x2850;
	[sflag:s30] =	ssyncadd.s32 $0xFFFFEC00  }
0x51: {  	[spmem:s3] =	stream.indirect.scatter.add.f32 [tilespmem:s23], [sflag:$0x6], $0x40, s0, s15, $0xb8;
	[tilespmem:$0x1F220] =	vst v63  }
0x52: {  	_ =	swait.ge [sflag:s10], $0x1400  }
0x53: {  	[sflag:s10] =	ssyncset.done $0x0  }
0x54: {  	s31 =	simm.s32 $0x2D0;
	s22 =	simm.s32 $0x640;
	[sflag:s10] =	ssyncadd.s32 $0xFFFFEC00  }
.LBB2_2:
0x55: {  	[tilespmem:s23], [sflag:$0x5] =	stream.indirect.gather [spmem:s2], $0x40, s31, s15, $0xb8;
	[tilespmem:$0x1F220] =	vst v63  }
0x56: {  	s31 =	smov.u32 s22  }
0x57: {  	p0 =	sne.s32 s22, $0x8FC0;
	s22 =	sadd.s32 $0x640, s22;
	_ =	swait.ge [sflag:s25], $0x1400  }
0x58: {  	s31 =	sshra.s32 s31, $0x2;
	[sflag:s25] =	ssyncset.done $0x0  }
0x59: {  	s0 =	sadd.s32 $0x2710, s31;
	[sflag:s25] =	ssyncadd.s32 $0xFFFFEC00  }
0x5a: {  	[spmem:s3] =	stream.indirect.scatter.add.f32 [tilespmem:s16], [sflag:$0x6], $0x40, s0, s15, $0xb8;
	[tilespmem:$0x1F220] =	vst v63  }
0x5b: {  	_ =	swait.ge [sflag:s10], $0x1400  }
0x5c: {  	[sflag:s10] =	ssyncset.done $0x0  }
0x5d: {  	s0 =	sadd.s32 $0x190, s31;
	[sflag:s10] =	ssyncadd.s32 $0xFFFFEC00  }
0x5e: {  	[tilespmem:s16], [sflag:$0x1] =	stream.indirect.gather [spmem:s2], $0x40, s0, s15, $0xb8;
	[tilespmem:$0x1F220] =	vst v63  }
0x5f: {  	_ =	swait.ge [sflag:s26], $0x1400  }
0x60: {  	[sflag:s26] =	ssyncset.done $0x0  }
0x61: {  	s0 =	sadd.s32 $0x2760, s31;
	[sflag:s26] =	ssyncadd.s32 $0xFFFFEC00  }
0x62: {  	[spmem:s3] =	stream.indirect.scatter.add.f32 [tilespmem:s17], [sflag:$0x6], $0x40, s0, s15, $0xb8;
	[tilespmem:$0x1F220] =	vst v63  }
0x63: {  	_ =	swait.ge [sflag:s10], $0x1400  }
0x64: {  	[sflag:s10] =	ssyncset.done $0x0  }
0x65: {  	s0 =	sadd.s32 $0x1E0, s31;
	[sflag:s10] =	ssyncadd.s32 $0xFFFFEC00  }
0x66: {  	[tilespmem:s17], [sflag:$0x2] =	stream.indirect.gather [spmem:s2], $0x40, s0, s15, $0xb8;
	[tilespmem:$0x1F220] =	vst v63  }
0x67: {  	_ =	swait.ge [sflag:s28], $0x1400  }
0x68: {  	[sflag:s28] =	ssyncset.done $0x0  }
0x69: {  	s0 =	sadd.s32 $0x27B0, s31;
	[sflag:s28] =	ssyncadd.s32 $0xFFFFEC00  }
0x6a: {  	[spmem:s3] =	stream.indirect.scatter.add.f32 [tilespmem:s19], [sflag:$0x6], $0x40, s0, s15, $0xb8;
	[tilespmem:$0x1F220] =	vst v63  }
0x6b: {  	_ =	swait.ge [sflag:s10], $0x1400  }
0x6c: {  	[sflag:s10] =	ssyncset.done $0x0  }
0x6d: {  	s0 =	sadd.s32 $0x230, s31;
	[sflag:s10] =	ssyncadd.s32 $0xFFFFEC00  }
0x6e: {  	[tilespmem:s19], [sflag:$0x3] =	stream.indirect.gather [spmem:s2], $0x40, s0, s15, $0xb8;
	[tilespmem:$0x1F220] =	vst v63  }
0x6f: {  	_ =	swait.ge [sflag:s29], $0x1400  }
0x70: {  	[sflag:s29] =	ssyncset.done $0x0  }
0x71: {  	s0 =	sadd.s32 $0x2800, s31;
	[sflag:s29] =	ssyncadd.s32 $0xFFFFEC00  }
0x72: {  	[spmem:s3] =	stream.indirect.scatter.add.f32 [tilespmem:s21], [sflag:$0x6], $0x40, s0, s15, $0xb8;
	[tilespmem:$0x1F220] =	vst v63  }
0x73: {  	_ =	swait.ge [sflag:s10], $0x1400  }
0x74: {  	[sflag:s10] =	ssyncset.done $0x0  }
0x75: {  	s0 =	sadd.s32 $0x280, s31;
	[sflag:s10] =	ssyncadd.s32 $0xFFFFEC00  }
0x76: {  	[tilespmem:s21], [sflag:$0x4] =	stream.indirect.gather [spmem:s2], $0x40, s0, s15, $0xb8;
	[tilespmem:$0x1F220] =	vst v63  }
0x77: {  	_ =	swait.ge [sflag:s30], $0x1400  }
0x78: {  	[sflag:s30] =	ssyncset.done $0x0  }
.Ltmp0:
0x79: {  	s0 =	sadd.s32 $0x2850, s31;
	[sflag:s30] =	ssyncadd.s32 $0xFFFFEC00;
	(pc) =	sbr.rel @p0 .LBB2_2-.Ltmp0, $4  }
0x7a: {  	[spmem:s3] =	stream.indirect.scatter.add.f32 [tilespmem:s23], [sflag:$0x6], $0x40, s0, s15, $0xb8;
	[tilespmem:$0x1F220] =	vst v63  }
0x7b: {  	_ =	swait.ge [sflag:s10], $0x1400  }
0x7c: {  	[sflag:s10] =	ssyncset.done $0x0  }
0x7d: {  	s31 =	sadd.s32 $0x2D0, s31;
	[sflag:s10] =	ssyncadd.s32 $0xFFFFEC00  }
0x7e: {  	[tilespmem:s23], [sflag:$0x5] =	stream.indirect.gather [spmem:s2], $0x40, s31, s15, $0xb8;
	[tilespmem:$0x1F220] =	vst v63  }
0x7f: {  	_ =	swait.ge [sflag:s25], $0x1400  }
0x80: {  	[sflag:s25] =	ssyncset.done $0x0  }
0x81: {  	s0 =	simm.s32 $0x4C90;
	[sflag:s25] =	ssyncadd.s32 $0xFFFFEC00  }
0x82: {  	[spmem:s3] =	stream.indirect.scatter.add.f32 [tilespmem:s16], [sflag:$0x6], $0x40, s0, s15, $0xb8;
	[tilespmem:$0x1F220] =	vst v63  }
0x83: {  	_ =	swait.ge [sflag:s10], $0x1400  }
0x84: {  	[sflag:s10] =	ssyncset.done $0x0  }
0x85: {  	[sflag:s10] =	ssyncadd.s32 $0xFFFFEC00  }
0x86: {  	_ =	swait.ge [sflag:s26], $0x1400  }
0x87: {  	[sflag:s26] =	ssyncset.done $0x0  }
0x88: {  	s31 =	simm.s32 $0x4CE0;
	[sflag:s26] =	ssyncadd.s32 $0xFFFFEC00  }
0x89: {  	[spmem:s3] =	stream.indirect.scatter.add.f32 [tilespmem:s17], [sflag:$0x6], $0x40, s31, s15, $0xb8;
	[tilespmem:$0x1F220] =	vst v63  }
0x8a: {  	_ =	swait.ge [sflag:s10], $0x1400  }
0x8b: {  	[sflag:s10] =	ssyncset.done $0x0  }
0x8c: {  	[sflag:s10] =	ssyncadd.s32 $0xFFFFEC00  }
0x8d: {  	_ =	swait.ge [sflag:s28], $0x1400  }
0x8e: {  	[sflag:s28] =	ssyncset.done $0x0  }
0x8f: {  	[sflag:s28] =	ssyncadd.s32 $0xFFFFEC00  }
0x90: {  	[spmem:s3] =	stream.indirect.scatter.add.f32 [tilespmem:s19], [sflag:$0x6], $0x40, s1, s15, $0xb8;
	[tilespmem:$0x1F220] =	vst v63  }
0x91: {  	_ =	swait.ge [sflag:s10], $0x1400  }
0x92: {  	[sflag:s10] =	ssyncset.done $0x0  }
0x93: {  	[sflag:s10] =	ssyncadd.s32 $0xFFFFEC00  }
0x94: {  	_ =	swait.ge [sflag:s29], $0x1400  }
0x95: {  	[sflag:s29] =	ssyncset.done $0x0  }
0x96: {  	[sflag:s29] =	ssyncadd.s32 $0xFFFFEC00  }
0x97: {  	[spmem:s3] =	stream.indirect.scatter.add.f32 [tilespmem:s21], [sflag:$0x6], $0x40, s11, s15, $0xb8;
	[tilespmem:$0x1F220] =	vst v63  }
0x98: {  	_ =	swait.ge [sflag:s10], $0x1400  }
0x99: {  	[sflag:s10] =	ssyncset.done $0x0  }
0x9a: {  	[sflag:s10] =	ssyncadd.s32 $0xFFFFEC00  }
0x9b: {  	_ =	swait.ge [sflag:s30], $0x1400  }
0x9c: {  	[sflag:s30] =	ssyncset.done $0x0  }
0x9d: {  	[sflag:s30] =	ssyncadd.s32 $0xFFFFEC00  }
0x9e: {  	[spmem:s3] =	stream.indirect.scatter.add.f32 [tilespmem:s23], [sflag:$0x6], $0x40, s18, s15, $0xb8;
	[tilespmem:$0x1F220] =	vst v63  }
0x9f: {  	_ =	swait.ge [sflag:s10], $0x1400  }
0xa0: {  	s20 =	sadd.s32 $0x1, s20;
	[sflag:s10] =	ssyncset.done $0x0  }
0xa1: {  	p0 =	sne.s32 s20, s9;
	[sflag:s10] =	ssyncadd.s32 $0xFFFFEC00  }
.Ltmp1:
0xa2: {  	[bflag:$0x0] =	sbarrier.arrive $0xFFFF;
	(pc) =	sbr.rel @p0 .LBB2_1-.Ltmp1, $4  }
0xa3: {  	[hbm:s24], [sflag:s12] =	dma.local [spmem:s14], $0x1400  }
0xa4: {  	_ =	swait.ge [sflag:s10], $0x1400  }
0xa5: {  	[sflag:s10] =	ssyncset.done $0x0  }
0xa6: {  	[sflag:s10] =	ssyncadd.s32 $0xFFFFEC00  }
0xa7: {  	_ =	sfence.sel $0x180000  }
0xa8: {  	[bflag:$0x0] =	sbarrier.arrive $0xFFFF  }
0xa9: {  	_ =	strace $0x9000004A  }
0xaa: {  	s0 =	stileid.u32;
	[bflag:$0x2] =	sbarrier.arrive $0xFFFF  }
0xab: {  	p0 =	sne.s32 s0, $0x0;
	s0 =	rddreg [dreg:$0x3]  }
0xac: {  	s0 =	sadd.s32 @!p0 $0x100000, s0  }
0xad: {  	[sflag:s0] =	ssyncadd.tile.s32 @!p0 $0x1;
	_ =	shalt  }
.Lfunc_end2:
_tile_overlayer_lowered:
.L_overlay_start_2:
0xae: {  	(tag) =	ssettag $0x2  }
0xaf: {  	s0 =	rddreg [dreg:$0x0];
	s2 =	stileid.u32  }
0xb0: {  	s1 =	rddreg [dreg:$0x1];
	p0 =	sne.s32 s2, $0x0  }
0xb1: {  	s3 =	rddreg [dreg:$0x2];
	[bflag:$0x3] =	sbarrier.arrive $0xFFFF;
	s2 =	simm.s32 @!p0 $0x1C06  }
0xb2: {  	[timem:s3], [sflag:s2] =	dma.local @!p0 [hbm:s0], s1  }
0xb3: {  	s0 =	simm.s32 @!p0 $0x6  }
0xb4: {  	_ =	swait.ge @!p0 [sflag:s0], s1  }
0xb5: {  	s1 =	ssub.s32 @!p0 $0x0, s1;
	[sflag:s0] =	ssyncset.done @!p0 $0x0  }
0xb6: {  	[sflag:s0] =	ssyncadd.s32 @!p0 s1  }
0xb7: {  	[bflag:$0x3] =	sbarrier.arrive $0xFFFF  }
0xb8: {  	_ =	shalt  }

// kernel: kernel.7.cloned.1.call-start
scs
__scs_entry_jumppad:
0x0: {  	(pc) =	sbr.rel $0x88, $3  }
0x1: {  	(tag) =	ssettag $0x0;
	lr =	simm.s32 $0x1  }
0x2: {  	[smem:$0x3F92] =	sst lr;
	_ =	strace $0xD0000000  }
0x3: {  	_ = 	snop  }
0x4: {  	_ = 	snop  }
0x5: {  	_ = 	snop  }
0x6: {  	_ = 	snop  }
0x7: {  	_ = 	snop  }
__scs_overlays_trampoline_lowered:
0x8: {  	[smem:$0x3FA1] =	sst s0  }
0x9: {  	[smem:$0x3FA2] =	sst s1  }
0xa: {  	[smem:$0x3FA3] =	sst s2  }
0xb: {  	[smem:$0x3FA4] =	sst s3  }
0xc: {  	[smem:$0x3FA5] =	sst s4  }
0xd: {  	[smem:$0x3FA6] =	sst s5  }
0xe: {  	[smem:$0x3FA7] =	sst s6  }
0xf: {  	[smem:$0x3FA8] =	sst s7  }
0x10: {  	[smem:$0x3FA9] =	sst s8  }
0x11: {  	[smem:$0x3FAA] =	sst s9;
	s0 =	simm.s32 @!p0 $0x0  }
0x12: {  	s1 =	sld [smem:$0x3F90];
	s0 =	simm.s32 @p0 $0x1  }
0x13: {  	[smem:$0x3FAB] =	sst s0;
	s0 =	simm.s32 @!p1 $0x0  }
0x14: {  	s2 =	sld [smem:$0x3F8F];
	s0 =	simm.s32 @p1 $0x1  }
0x15: {  	[smem:$0x3FAC] =	sst s0;
	s0 =	simm.s32 @!p2 $0x0  }
0x16: {  	s3 =	sld [smem:$0x3FDB];
	s0 =	simm.s32 @p2 $0x1  }
0x17: {  	s4 =	simm.s32 $0x1BF5;
	[smem:$0x3FAE] =	sst s0  }
0x18: {  	s0 =	sld [smem:$0x3F91];
	_ =	swait.ge [sflag:s4], $0x0  }
0x19: {  	s7 =	sld [smem:$0x3F92]  }
0x1a: {  	s8 =	sadd.s32 $0xFFFFE003, lr  }
0x1b: {  	s9 =	sadd.s32 $0xFFFFFEF7, lr;
	s5 =	simm.s32 $0xFFFFFFFF;
	p2 =	slt.u32 s8, $0xFFFFF086  }
0x1c: {  	p1 =	slt.u32 s9, $0xF7A;
	s5 =	simm.s32 @!p2 $0x0  }
0x1d: {  	s5 =	simm.s32 @p1 $0x1;
	p0 =	seq.s32 s7, s2  }
0x1e: {  	s7 =	smul.u32 @!p0 $0xF7A, s2;
	p2 =	seq.s32 @!p0 s5, $0x0  }
0x1f: {  	s9 =	smul.u32 $0xF7A, s1;
	s8 =	simm.s32 @!p0 $0x1BF5;
	p2 =	por !p2, p0  }
0x20: {  	[sflag:s8] =	ssyncset.s32 @!p0 $0xFFFFF086;
	s6 =	sadd.s32 @!p0 s3, s7;
	s7 =	simm.s32 @!p0 $0x108  }
0x21: {  	s3 =	sadd.s32 s3, s9;
	s6 =	sadd.s32 @!p0 $0x88, s6;
	s7 =	simm.s32 @p2 $0x1082  }
0x22: {  	[simem:s7], [sflag:s8] =	dma.local @!p0 [hbm:s6], $0xF7A  }
0x23: {  	s9 =	sor.u32 $0xD0000000, s2;
	s6 =	simm.s32 $0x108;
	_ =	swait.ge @!p0 [sflag:s8], $0x0  }
0x24: {  	s3 =	sadd.s32 $0x88, s3;
	s6 =	simm.s32 @!p1 $0x1082;
	[sflag:s4] =	ssyncset.s32 $0xFFFFF086  }
0x25: {  	[simem:s6], [sflag:s4] =	dma.local [hbm:s3], $0xF7A  }
0x26: {  	[smem:$0x3F92] =	sst s1;
	(tag) =	ssettag s2;
	_ =	strace s9  }
0x27: {  	s1 =	sld [smem:$0x3FA2]  }
0x28: {  	s2 =	sld [smem:$0x3FA3]  }
0x29: {  	s4 =	sld [smem:$0x3FA5]  }
0x2a: {  	p0 =	seq.s32 s5, $0x0;
	s5 =	sld [smem:$0x3FA6]  }
0x2b: {  	s6 =	sld [smem:$0x3FA7]  }
0x2c: {  	s7 =	sld [smem:$0x3FA8]  }
0x2d: {  	s3 =	simm.s32 $0x108;
	s8 =	sld [smem:$0x3FA9]  }
0x2e: {  	s3 =	simm.s32 @!p0 $0x1082;
	s9 =	sld [smem:$0x3FAA]  }
0x2f: {  	lr =	sadd.s32 s0, s3;
	s0 =	sld [smem:$0x3FA1]  }
0x30: {  	s3 =	sld [smem:$0x3FA4]  }
0x31: {  	[smem:$0x3FAD] =	sst s10  }
0x32: {  	s10 =	sld [smem:$0x3FAB];
	_ =	sdelay $0x3  }
0x33: {  	p0 =	seq.s32 s10, $0x1;
	s10 =	sld [smem:$0x3FAD];
	_ =	sdelay $0x3  }
0x34: {  	[smem:$0x3FAD] =	sst s10  }
0x35: {  	s10 =	sld [smem:$0x3FAC];
	_ =	sdelay $0x3  }
0x36: {  	p1 =	seq.s32 s10, $0x1;
	s10 =	sld [smem:$0x3FAD];
	_ =	sdelay $0x3  }
0x37: {  	[smem:$0x3FAD] =	sst s10  }
0x38: {  	s10 =	sld [smem:$0x3FAE]  }
0x39: {  	_ = 	snop;
	(pc) =	sbr.ind lr, $3  }
0x3a: {  	_ = 	snop  }
0x3b: {  	_ = 	snop  }
0x3c: {  	p2 =	seq.s32 s10, $0x1;
	s10 =	sld [smem:$0x3FAD]  }
0x3d: {  	_ =	shalt  }
0x3e: {  	_ =	shalt  }
0x3f: {  	_ =	shalt  }
0x40: {  	_ =	shalt  }
0x41: {  	_ =	shalt  }
0x42: {  	_ =	shalt  }
0x43: {  	_ =	shalt  }
0x44: {  	_ =	shalt  }
0x45: {  	_ =	shalt  }
0x46: {  	_ =	shalt  }
0x47: {  	_ =	shalt  }
0x48: {  	_ =	shalt  }
0x49: {  	_ =	shalt  }
0x4a: {  	_ =	shalt  }
0x4b: {  	_ =	shalt  }
0x4c: {  	_ =	shalt  }
0x4d: {  	_ =	shalt  }
0x4e: {  	_ =	shalt  }
0x4f: {  	_ =	shalt  }
0x50: {  	_ =	shalt  }
0x51: {  	_ =	shalt  }
0x52: {  	_ =	shalt  }
0x53: {  	_ =	shalt  }
0x54: {  	_ =	shalt  }
0x55: {  	_ =	shalt  }
0x56: {  	_ =	shalt  }
0x57: {  	_ =	shalt  }
0x58: {  	_ =	shalt  }
0x59: {  	_ =	shalt  }
0x5a: {  	_ =	shalt  }
0x5b: {  	_ =	shalt  }
0x5c: {  	_ =	shalt  }
0x5d: {  	_ =	shalt  }
0x5e: {  	_ =	shalt  }
0x5f: {  	_ =	shalt  }
0x60: {  	_ =	shalt  }
0x61: {  	_ =	shalt  }
0x62: {  	_ =	shalt  }
0x63: {  	_ =	shalt  }
0x64: {  	_ =	shalt  }
0x65: {  	_ =	shalt  }
0x66: {  	_ =	shalt  }
0x67: {  	_ =	shalt  }
0x68: {  	_ =	shalt  }
0x69: {  	_ =	shalt  }
0x6a: {  	_ =	shalt  }
0x6b: {  	_ =	shalt  }
0x6c: {  	_ =	shalt  }
0x6d: {  	_ =	shalt  }
0x6e: {  	_ =	shalt  }
0x6f: {  	_ =	shalt  }
0x70: {  	_ =	shalt  }
0x71: {  	_ =	shalt  }
0x72: {  	_ =	shalt  }
0x73: {  	_ =	shalt  }
0x74: {  	_ =	shalt  }
0x75: {  	_ =	shalt  }
0x76: {  	_ =	shalt  }
0x77: {  	_ =	shalt  }
0x78: {  	_ =	shalt  }
0x79: {  	_ =	shalt  }
0x7a: {  	_ =	shalt  }
0x7b: {  	_ =	shalt  }
0x7c: {  	_ =	shalt  }
0x7d: {  	_ =	shalt  }
0x7e: {  	_ =	shalt  }
0x7f: {  	_ =	shalt  }
0x80: {  	_ =	shalt  }
0x81: {  	_ =	shalt  }
0x82: {  	_ =	shalt  }
0x83: {  	_ =	shalt  }
0x84: {  	_ =	shalt  }
0x85: {  	_ =	shalt  }
0x86: {  	_ =	shalt  }
0x87: {  	_ =	shalt  }
.Lfunc_end0:
.L_simem_size_0:
called_computation_lowered:
.L_overlay_start_0:
0x88: {  	s2 =	sld [smem:$0x3FD9]  }
0x89: {  	s3 =	sld [smem:$0x3FFE];
	_ =	sdelay $0x1  }
0x8a: {  	s1 =	srdreg.scid  }
0x8b: {  	s0 =	sand.u32 $0x1, s1  }
0x8c: {  	s16 =	sshll.u32 s0, $0xA;
	s2 =	sadd.s32 s3, s2  }
0x8d: {  	s2 =	sadd.s32 s2, s16  }
0x8e: {  	[smem:$0x3FB9] =	sst s2  }
0x8f: {  	_ = 	snop  }
0x90: {  	(tm) =	ssettm $0x1  }
0x91: {  	s17 =	sld [smem:$0x3FFB];
	_ =	sdelay $0x3  }
0x92: {  	_ =	strace s17  }
0x93: {  	s2 =	sld [smem:$0x3FFC];
	_ =	sdelay $0x3  }
0x94: {  	_ =	strace s2  }
0x95: {  	s2 =	sld [smem:$0x3FFD];
	_ =	sdelay $0x3  }
0x96: {  	_ =	strace s2  }
0x97: {  	_ =	strace $0x8FFFFFFF  }
0x98: {  	s18 =	sld [smem:$0x3FDB];
	_ =	sdelay $0x1  }
0x99: {  	s19 =	simm.s32 $_scs_section_size  }
0x9a: {  	s4 =	simm.s32 $_size__tile_overlayer_lowered;
	s5 =	simm.s32 $_tile_overlayer_lowered  }
0x9b: {  	s22 =	simm.s32 $0x1BFF;
	s21 =	sshll.u32 s5, $0x1;
	s2 =	sadd.s32 s19, s18  }
0x9c: {  	s6 =	simm.s32 $0x0;
	s20 =	sshll.u32 s4, $0x1;
	s4 =	sadd.s32 s21, s2  }
0x9d: {  	[timem:s6], [sflag:s22] =	dma.local [hbm:s4], s20  }
0x9e: {  	_ =	swait.ge [sflag:s22], s20  }
0x9f: {  	s3 =	ssub.s32 $0x0, s20;
	[sflag:s22] =	ssyncset.done $0x0  }
0xa0: {  	[sflag:s22] =	ssyncadd.s32 s3;
	_ =	sdelay $0x1  }
0xa1: {  	s23 =	simm.s32 $0x1B8B  }
0xa2: {  	_ =	swait.ge [sflag:s23], $0x1  }
0xa3: {  	[sflag:s23] =	ssyncset.done $0x0  }
0xa4: {  	s25 =	simm.s32 $0x1B8E;
	s24 =	sld [smem:$0x3FFE];
	[sflag:s23] =	ssyncadd.s32 $0xFFFFFFFF  }
0xa5: {  	s26 =	simm.s32 $execute0_lowered;
	[smem:$0x3FD2] =	sst s25  }
0xa6: {  	s4 =	sshll.u32 s26, $0x1;
	_ =	strace $0x80000046;
	[dreg:$0x1] =	wrdreg $0xFFFFFFFF  }
0xa7: {  	s28 =	simm.s32 $_size_execute0_lowered;
	s2 =	sadd.s32 s2, s4;
	[dreg:$0x0] =	wrdreg $0x0  }
0xa8: {  	s4 =	sshll.u32 s28, $0x1;
	[dreg:$0x2] =	wrdreg s2  }
0xa9: {  	[dreg:$0x3] =	wrdreg s4  }
0xaa: {  	[dreg:$0x4] =	wrdreg $0xC0  }
0xab: {  	_ =	task [dreg:s6], $0x5FFFF  }
0xac: {  	[dreg:$0x1] =	wrdreg $0xFFFFFFFF  }
0xad: {  	[dreg:$0x0] =	wrdreg $0x60  }
0xae: {  	[dreg:$0x2] =	wrdreg s24  }
0xaf: {  	[dreg:$0x3] =	wrdreg $0x152200  }
0xb0: {  	[dreg:$0x4] =	wrdreg $0xB2200  }
0xb1: {  	[dreg:$0x5] =	wrdreg $0x9  }
0xb2: {  	_ =	task.clear_ibuf [dreg:s6], $0x6FFFF;
	_ =	strace $0x90000046  }
0xb3: {  	s29 =	simm.s32 $0x9;
	_ =	strace $0x80000048  }
0xb4: {  	_ =	swait.ge [sflag:s29], $0x1  }
0xb5: {  	[sflag:s29] =	ssyncadd.s32 $0xFFFFFFFF  }
0xb6: {  	_ =	strace $0x90000048  }
0xb7: {  	_ =	sfence  }
0xb8: {  	s30 =	sld [smem:$0x0];
	_ =	sdelay $0x2  }
0xb9: {  	s31 =	sshll.u32 s1, $0xD;
	s1 =	sshrl.u32 s1, $0x2  }
0xba: {  	s3 =	sand.u32 $0x4000, s31;
	s1 =	sadd.s32 s1, s30  }
0xbb: {  	s0 =	sor.u32 s3, s0;
	s1 =	sshll.u32 s1, $0x11  }
0xbc: {  	s0 =	sor.u32 s1, s0  }
0xbd: {  	s0 =	sadd.s32 $0x8F2B, s0  }
0xbe: {  	[sflag:s0] =	ssyncadd.remote.s32 $0x1  }
0xbf: {  	_ =	sfence.sel $0xFFFF  }
0xc0: {  	[dreg:$0x0] =	wrdreg $0xFFFFFFFF;
	(pc) =	sbr.abs _section_cstart, $3  }
0xc1: {  	[dreg:$0x1] =	wrdreg $0xFFFFFFFF  }
0xc2: {  	_ =	task.clear_ibuf [dreg:s6], $0x2FFFF;
	_ =	strace $0x9FFFFFFF  }
0xc3: {  	(tm) =	ssettm $0x7FFFFFFF  }
tec
execute0_lowered:
.L_overlay_start_1:
0x0: {  	(tag) =	ssettag $0x1  }
0x1: {  	s0 =	rddreg [dreg:$0x0]  }
0x2: {  	s2 =	rddreg [dreg:$0x1]  }
0x3: {  	s3 =	rddreg [dreg:$0x2]  }
0x4: {  	s1 =	srdreg.scid;
	s12 =	stileid.u32  }
0x5: {  	s4 =	simm.s32 $0x0;
	s15 =	simm.s32 $0x50;
	s16 =	simm.s32 $0x4E20  }
0x6: {  	s17 =	simm.s32 $0x6220;
	s19 =	simm.s32 $0x7620;
	s21 =	simm.s32 $0x8A20  }
0x7: {  	s23 =	simm.s32 $0x9E20;
	s25 =	simm.s32 $0x1;
	s26 =	simm.s32 $0x2  }
0x8: {  	s28 =	simm.s32 $0x3;
	s29 =	simm.s32 $0x4;
	s30 =	simm.s32 $0x5  }
0x9: {  	s18 =	simm.s32 $0x4DD0;
	s20 =	simm.s32 $0x0;
	s1 =	sand.u32 $0x1, s1  }
0xa: {  	s9 =	smul.u32 $0xA000, s12;
	[smem:$0x7FF] =	sst s4;
	s31 =	sshll.u32 s12, $0x6  }
0xb: {  	s5 =	sshll.u32 s1, $0x4;
	_ =	strace $0x80000047;
	s6 =	smul.u32 $0x14000, s1  }
0xc: {  	s1 =	ssub.s32 $0x2, s1;
	s5 =	sor.u32 s12, s5;
	s11 =	sshrl.u32 s9, $0x3  }
0xd: {  	s10 =	sshrl.u32 s1, $0x1;
	s13 =	sadd.s32 s9, s2;
	s14 =	sadd.s32 s9, s3  }
0xe: {  	s12 =	sor.u32 $0x1C06, s31;
	s5 =	smul.u32 $0x4E2, s5;
	s8 =	sadd.s32 s11, s0  }
0xf: {  	s1 =	ssub.s32 s1, s10;
	s10 =	simm.s32 $0x6;
	s13 =	sshrl.u32 s13, $0x3  }
0x10: {  	s14 =	sshrl.u32 s14, $0x3;
	s8 =	sadd.s32 $0x15800, s8;
	s9 =	smax.u32 s1, $0x1  }
0x11: {  	s7 =	sadd.s32 s5, s0;
	s5 =	sadd.s32 $0x29800, s0;
	s0 =	sadd.s32 s6, s0  }
0x12: {  	s1 =	simm.s32 $0x4D30;
	s6 =	sadd.s32 $0xBA00, s7;
	s0 =	sadd.s32 $0x2AC00, s0  }
0x13: {  	s7 =	sadd.s32 $0x1C00, s7;
	s24 =	sadd.s32 s11, s0;
	s11 =	simm.s32 $0x4D80  }
.LBB2_1:
0x14: {  	[tilespmem:s4], [sflag:$0x6] =	stream.linear.gather [hbm4b:s6+s4], $0x2710, $0x38;
	[tilespmem:$0x1F220] =	vst v63  }
0x15: {  	_ =	swait.ge [sflag:s10], $0x2710  }
0x16: {  	[sflag:s10] =	ssyncset.done $0x0  }
0x17: {  	s0 =	simm.s32 $0x2710;
	[sflag:s10] =	ssyncadd.s32 $0xFFFFD8F0  }
0x18: {  	[tilespmem:s0], [sflag:$0x6] =	stream.linear.gather [hbm4b:s7+s4], $0x2710, $0x38;
	[tilespmem:$0x1F220] =	vst v63  }
0x19: {  	_ =	swait.ge [sflag:s10], $0x2710  }
0x1a: {  	[sflag:s10] =	ssyncset.done $0x0  }
0x1b: {  	[sflag:s10] =	ssyncadd.s32 $0xFFFFD8F0  }
0x1c: {  	[spmem:s13], [sflag:s12] =	dma.local [hbm:s8], $0x1400  }
0x1d: {  	_ =	swait.ge [sflag:s10], $0x1400  }
0x1e: {  	[sflag:s10] =	ssyncset.done $0x0  }
0x1f: {  	[sflag:s10] =	ssyncadd.s32 $0xFFFFEC00  }
0x20: {  	[spmem:s14], [sflag:s12] =	dma.local [hbm:s5], $0x1400  }
0x21: {  	_ =	swait.ge [sflag:s10], $0x1400  }
0x22: {  	[sflag:s10] =	ssyncset.done $0x0  }
0x23: {  	[sflag:s10] =	ssyncadd.s32 $0xFFFFEC00  }
0x24: {  	[bflag:$0x0] =	sbarrier.arrive $0xFFFF  }
0x25: {  	[tilespmem:s16], [sflag:$0x1] =	stream.indirect.gather [spmem:s2], $0x40, s4, s15, $0xb8;
	[tilespmem:$0x1F220] =	vst v63  }
0x26: {  	_ = 	snop  }
0x27: {  	[tilespmem:s17], [sflag:$0x2] =	stream.indirect.gather [spmem:s2], $0x40, s15, s15, $0xb8;
	[tilespmem:$0x1F220] =	vst v63  }
0x28: {  	s22 =	simm.s32 $0xA0  }
0x29: {  	[tilespmem:s19], [sflag:$0x3] =	stream.indirect.gather [spmem:s2], $0x40, s22, s15, $0xb8;
	[tilespmem:$0x1F220] =	vst v63  }
0x2a: {  	s22 =	simm.s32 $0xF0  }
0x2b: {  	[tilespmem:s21], [sflag:$0x4] =	stream.indirect.gather [spmem:s2], $0x40, s22, s15, $0xb8;
	[tilespmem:$0x1F220] =	vst v63  }
0x2c: {  	s22 =	simm.s32 $0x140  }
0x2d: {  	[tilespmem:s23], [sflag:$0x5] =	stream.indirect.gather [spmem:s2], $0x40, s22, s15, $0xb8;
	[tilespmem:$0x1F220] =	vst v63  }
0x2e: {  	_ =	swait.ge [sflag:s25], $0x1400  }
0x2f: {  	[sflag:s25] =	ssyncset.done $0x0  }
0x30: {  	s22 =	simm.s32 $0x2710;
	[sflag:s25] =	ssyncadd.s32 $0xFFFFEC00  }
0x31: {  	[spmem:s3] =	stream.indirect.scatter.add.f32 [tilespmem:s16], [sflag:$0x6], $0x40, s22, s15, $0xb8;
	[tilespmem:$0x1F220] =	vst v63  }
0x32: {  	_ =	swait.ge [sflag:s10], $0x1400  }
0x33: {  	[sflag:s10] =	ssyncset.done $0x0  }
0x34: {  	s0 =	simm.s32 $0x190;
	[sflag:s10] =	ssyncadd.s32 $0xFFFFEC00  }
0x35: {  	[tilespmem:s16], [sflag:$0x1] =	stream.indirect.gather [spmem:s2], $0x40, s0, s15, $0xb8;
	[tilespmem:$0x1F220] =	vst v63  }
0x36: {  	_ =	swait.ge [sflag:s26], $0x1400  }
0x37: {  	[sflag:s26] =	ssyncset.done $0x0  }
0x38: {  	s0 =	simm.s32 $0x2760;
	[sflag:s26] =	ssyncadd.s32 $0xFFFFEC00  }
0x39: {  	[spmem:s3] =	stream.indirect.scatter.add.f32 [tilespmem:s17], [sflag:$0x6], $0x40, s0, s15, $0xb8;
	[tilespmem:$0x1F220] =	vst v63  }
0x3a: {  	_ =	swait.ge [sflag:s10], $0x1400  }
0x3b: {  	[sflag:s10] =	ssyncset.done $0x0  }
0x3c: {  	s0 =	simm.s32 $0x1E0;
	[sflag:s10] =	ssyncadd.s32 $0xFFFFEC00  }
0x3d: {  	[tilespmem:s17], [sflag:$0x2] =	stream.indirect.gather [spmem:s2], $0x40, s0, s15, $0xb8;
	[tilespmem:$0x1F220] =	vst v63  }
0x3e: {  	_ =	swait.ge [sflag:s28], $0x1400  }
0x3f: {  	[sflag:s28] =	ssyncset.done $0x0  }
0x40: {  	s0 =	simm.s32 $0x27B0;
	[sflag:s28] =	ssyncadd.s32 $0xFFFFEC00  }
0x41: {  	[spmem:s3] =	stream.indirect.scatter.add.f32 [tilespmem:s19], [sflag:$0x6], $0x40, s0, s15, $0xb8;
	[tilespmem:$0x1F220] =	vst v63  }
0x42: {  	_ =	swait.ge [sflag:s10], $0x1400  }
0x43: {  	[sflag:s10] =	ssyncset.done $0x0  }
0x44: {  	s0 =	simm.s32 $0x230;
	[sflag:s10] =	ssyncadd.s32 $0xFFFFEC00  }
0x45: {  	[tilespmem:s19], [sflag:$0x3] =	stream.indirect.gather [spmem:s2], $0x40, s0, s15, $0xb8;
	[tilespmem:$0x1F220] =	vst v63  }
0x46: {  	_ =	swait.ge [sflag:s29], $0x1400  }
0x47: {  	[sflag:s29] =	ssyncset.done $0x0  }
0x48: {  	s0 =	simm.s32 $0x2800;
	[sflag:s29] =	ssyncadd.s32 $0xFFFFEC00  }
0x49: {  	[spmem:s3] =	stream.indirect.scatter.add.f32 [tilespmem:s21], [sflag:$0x6], $0x40, s0, s15, $0xb8;
	[tilespmem:$0x1F220] =	vst v63  }
0x4a: {  	_ =	swait.ge [sflag:s10], $0x1400  }
0x4b: {  	[sflag:s10] =	ssyncset.done $0x0  }
0x4c: {  	s0 =	simm.s32 $0x280;
	[sflag:s10] =	ssyncadd.s32 $0xFFFFEC00  }
0x4d: {  	[tilespmem:s21], [sflag:$0x4] =	stream.indirect.gather [spmem:s2], $0x40, s0, s15, $0xb8;
	[tilespmem:$0x1F220] =	vst v63  }
0x4e: {  	_ =	swait.ge [sflag:s30], $0x1400  }
0x4f: {  	[sflag:s30] =	ssyncset.done $0x0  }
0x50: {  	s0 =	simm.s32 $0x2850;
	[sflag:s30] =	ssyncadd.s32 $0xFFFFEC00  }
0x51: {  	[spmem:s3] =	stream.indirect.scatter.add.f32 [tilespmem:s23], [sflag:$0x6], $0x40, s0, s15, $0xb8;
	[tilespmem:$0x1F220] =	vst v63  }
0x52: {  	_ =	swait.ge [sflag:s10], $0x1400  }
0x53: {  	[sflag:s10] =	ssyncset.done $0x0  }
0x54: {  	s31 =	simm.s32 $0x2D0;
	s22 =	simm.s32 $0x640;
	[sflag:s10] =	ssyncadd.s32 $0xFFFFEC00  }
.LBB2_2:
0x55: {  	[tilespmem:s23], [sflag:$0x5] =	stream.indirect.gather [spmem:s2], $0x40, s31, s15, $0xb8;
	[tilespmem:$0x1F220] =	vst v63  }
0x56: {  	s31 =	smov.u32 s22  }
0x57: {  	p0 =	sne.s32 s22, $0x8FC0;
	s22 =	sadd.s32 $0x640, s22;
	_ =	swait.ge [sflag:s25], $0x1400  }
0x58: {  	s31 =	sshra.s32 s31, $0x2;
	[sflag:s25] =	ssyncset.done $0x0  }
0x59: {  	s0 =	sadd.s32 $0x2710, s31;
	[sflag:s25] =	ssyncadd.s32 $0xFFFFEC00  }
0x5a: {  	[spmem:s3] =	stream.indirect.scatter.add.f32 [tilespmem:s16], [sflag:$0x6], $0x40, s0, s15, $0xb8;
	[tilespmem:$0x1F220] =	vst v63  }
0x5b: {  	_ =	swait.ge [sflag:s10], $0x1400  }
0x5c: {  	[sflag:s10] =	ssyncset.done $0x0  }
0x5d: {  	s0 =	sadd.s32 $0x190, s31;
	[sflag:s10] =	ssyncadd.s32 $0xFFFFEC00  }
0x5e: {  	[tilespmem:s16], [sflag:$0x1] =	stream.indirect.gather [spmem:s2], $0x40, s0, s15, $0xb8;
	[tilespmem:$0x1F220] =	vst v63  }
0x5f: {  	_ =	swait.ge [sflag:s26], $0x1400  }
0x60: {  	[sflag:s26] =	ssyncset.done $0x0  }
0x61: {  	s0 =	sadd.s32 $0x2760, s31;
	[sflag:s26] =	ssyncadd.s32 $0xFFFFEC00  }
0x62: {  	[spmem:s3] =	stream.indirect.scatter.add.f32 [tilespmem:s17], [sflag:$0x6], $0x40, s0, s15, $0xb8;
	[tilespmem:$0x1F220] =	vst v63  }
0x63: {  	_ =	swait.ge [sflag:s10], $0x1400  }
0x64: {  	[sflag:s10] =	ssyncset.done $0x0  }
0x65: {  	s0 =	sadd.s32 $0x1E0, s31;
	[sflag:s10] =	ssyncadd.s32 $0xFFFFEC00  }
0x66: {  	[tilespmem:s17], [sflag:$0x2] =	stream.indirect.gather [spmem:s2], $0x40, s0, s15, $0xb8;
	[tilespmem:$0x1F220] =	vst v63  }
0x67: {  	_ =	swait.ge [sflag:s28], $0x1400  }
0x68: {  	[sflag:s28] =	ssyncset.done $0x0  }
0x69: {  	s0 =	sadd.s32 $0x27B0, s31;
	[sflag:s28] =	ssyncadd.s32 $0xFFFFEC00  }
0x6a: {  	[spmem:s3] =	stream.indirect.scatter.add.f32 [tilespmem:s19], [sflag:$0x6], $0x40, s0, s15, $0xb8;
	[tilespmem:$0x1F220] =	vst v63  }
0x6b: {  	_ =	swait.ge [sflag:s10], $0x1400  }
0x6c: {  	[sflag:s10] =	ssyncset.done $0x0  }
0x6d: {  	s0 =	sadd.s32 $0x230, s31;
	[sflag:s10] =	ssyncadd.s32 $0xFFFFEC00  }
0x6e: {  	[tilespmem:s19], [sflag:$0x3] =	stream.indirect.gather [spmem:s2], $0x40, s0, s15, $0xb8;
	[tilespmem:$0x1F220] =	vst v63  }
0x6f: {  	_ =	swait.ge [sflag:s29], $0x1400  }
0x70: {  	[sflag:s29] =	ssyncset.done $0x0  }
0x71: {  	s0 =	sadd.s32 $0x2800, s31;
	[sflag:s29] =	ssyncadd.s32 $0xFFFFEC00  }
0x72: {  	[spmem:s3] =	stream.indirect.scatter.add.f32 [tilespmem:s21], [sflag:$0x6], $0x40, s0, s15, $0xb8;
	[tilespmem:$0x1F220] =	vst v63  }
0x73: {  	_ =	swait.ge [sflag:s10], $0x1400  }
0x74: {  	[sflag:s10] =	ssyncset.done $0x0  }
0x75: {  	s0 =	sadd.s32 $0x280, s31;
	[sflag:s10] =	ssyncadd.s32 $0xFFFFEC00  }
0x76: {  	[tilespmem:s21], [sflag:$0x4] =	stream.indirect.gather [spmem:s2], $0x40, s0, s15, $0xb8;
	[tilespmem:$0x1F220] =	vst v63  }
0x77: {  	_ =	swait.ge [sflag:s30], $0x1400  }
0x78: {  	[sflag:s30] =	ssyncset.done $0x0  }
.Ltmp0:
0x79: {  	s0 =	sadd.s32 $0x2850, s31;
	[sflag:s30] =	ssyncadd.s32 $0xFFFFEC00;
	(pc) =	sbr.rel @p0 .LBB2_2-.Ltmp0, $4  }
0x7a: {  	[spmem:s3] =	stream.indirect.scatter.add.f32 [tilespmem:s23], [sflag:$0x6], $0x40, s0, s15, $0xb8;
	[tilespmem:$0x1F220] =	vst v63  }
0x7b: {  	_ =	swait.ge [sflag:s10], $0x1400  }
0x7c: {  	[sflag:s10] =	ssyncset.done $0x0  }
0x7d: {  	s31 =	sadd.s32 $0x2D0, s31;
	[sflag:s10] =	ssyncadd.s32 $0xFFFFEC00  }
0x7e: {  	[tilespmem:s23], [sflag:$0x5] =	stream.indirect.gather [spmem:s2], $0x40, s31, s15, $0xb8;
	[tilespmem:$0x1F220] =	vst v63  }
0x7f: {  	_ =	swait.ge [sflag:s25], $0x1400  }
0x80: {  	[sflag:s25] =	ssyncset.done $0x0  }
0x81: {  	s0 =	simm.s32 $0x4C90;
	[sflag:s25] =	ssyncadd.s32 $0xFFFFEC00  }
0x82: {  	[spmem:s3] =	stream.indirect.scatter.add.f32 [tilespmem:s16], [sflag:$0x6], $0x40, s0, s15, $0xb8;
	[tilespmem:$0x1F220] =	vst v63  }
0x83: {  	_ =	swait.ge [sflag:s10], $0x1400  }
0x84: {  	[sflag:s10] =	ssyncset.done $0x0  }
0x85: {  	[sflag:s10] =	ssyncadd.s32 $0xFFFFEC00  }
0x86: {  	_ =	swait.ge [sflag:s26], $0x1400  }
0x87: {  	[sflag:s26] =	ssyncset.done $0x0  }
0x88: {  	s31 =	simm.s32 $0x4CE0;
	[sflag:s26] =	ssyncadd.s32 $0xFFFFEC00  }
0x89: {  	[spmem:s3] =	stream.indirect.scatter.add.f32 [tilespmem:s17], [sflag:$0x6], $0x40, s31, s15, $0xb8;
	[tilespmem:$0x1F220] =	vst v63  }
0x8a: {  	_ =	swait.ge [sflag:s10], $0x1400  }
0x8b: {  	[sflag:s10] =	ssyncset.done $0x0  }
0x8c: {  	[sflag:s10] =	ssyncadd.s32 $0xFFFFEC00  }
0x8d: {  	_ =	swait.ge [sflag:s28], $0x1400  }
0x8e: {  	[sflag:s28] =	ssyncset.done $0x0  }
0x8f: {  	[sflag:s28] =	ssyncadd.s32 $0xFFFFEC00  }
0x90: {  	[spmem:s3] =	stream.indirect.scatter.add.f32 [tilespmem:s19], [sflag:$0x6], $0x40, s1, s15, $0xb8;
	[tilespmem:$0x1F220] =	vst v63  }
0x91: {  	_ =	swait.ge [sflag:s10], $0x1400  }
0x92: {  	[sflag:s10] =	ssyncset.done $0x0  }
0x93: {  	[sflag:s10] =	ssyncadd.s32 $0xFFFFEC00  }
0x94: {  	_ =	swait.ge [sflag:s29], $0x1400  }
0x95: {  	[sflag:s29] =	ssyncset.done $0x0  }
0x96: {  	[sflag:s29] =	ssyncadd.s32 $0xFFFFEC00  }
0x97: {  	[spmem:s3] =	stream.indirect.scatter.add.f32 [tilespmem:s21], [sflag:$0x6], $0x40, s11, s15, $0xb8;
	[tilespmem:$0x1F220] =	vst v63  }
0x98: {  	_ =	swait.ge [sflag:s10], $0x1400  }
0x99: {  	[sflag:s10] =	ssyncset.done $0x0  }
0x9a: {  	[sflag:s10] =	ssyncadd.s32 $0xFFFFEC00  }
0x9b: {  	_ =	swait.ge [sflag:s30], $0x1400  }
0x9c: {  	[sflag:s30] =	ssyncset.done $0x0  }
0x9d: {  	[sflag:s30] =	ssyncadd.s32 $0xFFFFEC00  }
0x9e: {  	[spmem:s3] =	stream.indirect.scatter.add.f32 [tilespmem:s23], [sflag:$0x6], $0x40, s18, s15, $0xb8;
	[tilespmem:$0x1F220] =	vst v63  }
0x9f: {  	_ =	swait.ge [sflag:s10], $0x1400  }
0xa0: {  	s20 =	sadd.s32 $0x1, s20;
	[sflag:s10] =	ssyncset.done $0x0  }
0xa1: {  	p0 =	sne.s32 s20, s9;
	[sflag:s10] =	ssyncadd.s32 $0xFFFFEC00  }
.Ltmp1:
0xa2: {  	[bflag:$0x0] =	sbarrier.arrive $0xFFFF;
	(pc) =	sbr.rel @p0 .LBB2_1-.Ltmp1, $4  }
0xa3: {  	[hbm:s24], [sflag:s12] =	dma.local [spmem:s14], $0x1400  }
0xa4: {  	_ =	swait.ge [sflag:s10], $0x1400  }
0xa5: {  	[sflag:s10] =	ssyncset.done $0x0  }
0xa6: {  	[sflag:s10] =	ssyncadd.s32 $0xFFFFEC00  }
0xa7: {  	_ =	sfence.sel $0x180000  }
0xa8: {  	[bflag:$0x0] =	sbarrier.arrive $0xFFFF  }
0xa9: {  	_ =	strace $0x90000047  }
0xaa: {  	s0 =	stileid.u32;
	[bflag:$0x2] =	sbarrier.arrive $0xFFFF  }
0xab: {  	p0 =	sne.s32 s0, $0x0;
	s0 =	rddreg [dreg:$0x3]  }
0xac: {  	s0 =	sadd.s32 @!p0 $0x100000, s0  }
0xad: {  	[sflag:s0] =	ssyncadd.tile.s32 @!p0 $0x1;
	_ =	shalt  }
.Lfunc_end2:
_tile_overlayer_lowered:
.L_overlay_start_2:
0xae: {  	(tag) =	ssettag $0x2  }
0xaf: {  	s0 =	rddreg [dreg:$0x0];
	s2 =	stileid.u32  }
0xb0: {  	s1 =	rddreg [dreg:$0x1];
	p0 =	sne.s32 s2, $0x0  }
0xb1: {  	s3 =	rddreg [dreg:$0x2];
	[bflag:$0x3] =	sbarrier.arrive $0xFFFF;
	s2 =	simm.s32 @!p0 $0x1C06  }
0xb2: {  	[timem:s3], [sflag:s2] =	dma.local @!p0 [hbm:s0], s1  }
0xb3: {  	s0 =	simm.s32 @!p0 $0x6  }
0xb4: {  	_ =	swait.ge @!p0 [sflag:s0], s1  }
0xb5: {  	s1 =	ssub.s32 @!p0 $0x0, s1;
	[sflag:s0] =	ssyncset.done @!p0 $0x0  }
0xb6: {  	[sflag:s0] =	ssyncadd.s32 @!p0 s1  }
0xb7: {  	[bflag:$0x3] =	sbarrier.arrive $0xFFFF  }
0xb8: {  	_ =	shalt  }

</sc_bundles>
